<compile_context>
chip_gen: v7x
topology: tpu7x:2x2x1
jax: 0.10.2.dev20260603
libtpu: 0.0.44.dev20260713+nightly
codegen_flags: <defaults>
</compile_context>

<pallas_src>
import jax
import jax.numpy as jnp
from jax import lax
from jax.experimental import pallas as pl
from jax.experimental.pallas import tpu as pltpu
from jax.experimental.pallas import tpu_sc as plsc

B = 8
H = 256
W = 256
D = 64
N = 8192
G = 500
NC = 2
NS = 16
NW = NC * NS
NQ = NW // B
QP = (H * W) // NQ
QR = H // NQ


def _body(ys_hbm, xs_hbm, gs_hbm, emb_hbm, out_hbm,
          ys_v, xs_v, gs_v, grid_v, emb_v, plist_v, glist_v,
          obuf_a, obuf_b, sem_in, sem_a, sem_b):
    cid = lax.axis_index("c")
    sid = lax.axis_index("s")
    wid = sid * NC + cid
    b = wid % B
    q = wid // B
    qbase = q * QP

    cp_ys = pltpu.async_copy(ys_hbm.at[pl.ds(b * N, N)], ys_v, sem_in)
    cp_xs = pltpu.async_copy(xs_hbm.at[pl.ds(b * N, N)], xs_v, sem_in)
    cp_gs = pltpu.async_copy(gs_hbm.at[pl.ds(b * N, N)], gs_v, sem_in)
    cp_emb = pltpu.async_copy(emb_hbm, emb_v, sem_in)

    lanes = lax.iota(jnp.int32, 16)
    zero16i = jnp.zeros((16,), jnp.int32)
    zero16f = jnp.zeros((16,), jnp.float32)

    @plsc.parallel_loop(0, QP + 32, step=16, unroll=8)
    def _zero_grid(i):
        grid_v[pl.ds(i, 16)] = zero16i

    @plsc.parallel_loop(0, QR, step=1, unroll=2)
    def _zero_bufs(r):
        @plsc.parallel_loop(0, W, step=16, unroll=8)
        def _zr(i):
            obuf_a[r, pl.ds(i, 16)] = zero16f
            obuf_b[r, pl.ds(i, 16)] = zero16f

    cp_ys.wait()
    cp_xs.wait()
    cp_gs.wait()
    cp_emb.wait()

    def p1(i, carry):
        def one(base):
            y = ys_v[pl.ds(base, 16)]
            x = xs_v[pl.ds(base, 16)]
            g = gs_v[pl.ds(base, 16)]
            p = y * W + x - qbase
            inr = (p >= 0) & (p < QP)
            p = jnp.where(inr, p, QP)
            key = p * 16 + lanes
            ks, vs = plsc.sort_key_val(key, g)
            ps = jnp.right_shift(ks, 4)
            nxt = ps.at[(lanes + 1) & 15].get(mode="promise_in_bounds")
            last = (ps != nxt) | (lanes == 15)
            return ps, vs, last
        ps0, vs0, m0 = one(i * 32)
        ps1, vs1, m1 = one(i * 32 + 16)
        plsc.store_scatter(grid_v, [ps0], vs0, mask=m0)
        plsc.store_scatter(grid_v, [ps1], vs1, mask=m1)
        return carry
    lax.fori_loop(0, N // 32, p1, 0)

    @plsc.parallel_loop(0, QP, step=16, unroll=4, carry=jnp.int32(0))
    def nnz(i, off):
        g = grid_v[pl.ds(i, 16)]
        m = g != 0
        p = i + lanes
        plsc.store_compressed(plist_v.at[pl.ds(off, 16)], p, mask=m)
        plsc.store_compressed(glist_v.at[pl.ds(off, 16)], g, mask=m)
        return off + jnp.sum(m.astype(jnp.int32))

    plist_v[pl.ds(nnz, 16)] = jnp.full((16,), QP, jnp.int32)
    glist_v[pl.ds(nnz, 16)] = zero16i
    nnz_pad = (nnz + 15) & ~15

    rbase = q * QR

    def fill(dd, obuf):
        dsp = jnp.full((16,), dd, jnp.int32)

        @plsc.parallel_loop(0, nnz_pad, step=16, unroll=8)
        def _gs(k):
            p = plist_v[pl.ds(k, 16)]
            g = glist_v[pl.ds(k, 16)]
            val = plsc.load_gather(emb_v, [dsp, g])
            plsc.store_scatter(obuf, [jnp.right_shift(p, 8), p & (W - 1)], val)

    def start_out(dd, obuf, sem):
        return pltpu.async_copy(
            obuf.at[pl.ds(0, QR), :],
            out_hbm.at[b, dd, pl.ds(rbase, QR), :], sem)

    def drain(obuf, sem):
        pltpu.make_async_copy(
            obuf.at[pl.ds(0, QR), :],
            out_hbm.at[b, 0, pl.ds(rbase, QR), :], sem).wait()

    fill(0, obuf_a)
    start_out(0, obuf_a, sem_a)
    fill(1, obuf_b)
    start_out(1, obuf_b, sem_b)

    def p2(j, carry):
        d0 = j * 2
        drain(obuf_a, sem_a)
        fill(d0, obuf_a)
        start_out(d0, obuf_a, sem_a)
        drain(obuf_b, sem_b)
        fill(d0 + 1, obuf_b)
        start_out(d0 + 1, obuf_b, sem_b)
        return carry
    lax.fori_loop(1, D // 2, p2, 0)

    drain(obuf_a, sem_a)
    drain(obuf_b, sem_b)


@jax.jit
def _run(ys, xs, gs, emb_t):
    kfn = pl.kernel(
        _body,
        out_type=jax.ShapeDtypeStruct((B, D, H, W), jnp.float32),
        mesh=plsc.VectorSubcoreMesh(core_axis_name="c", subcore_axis_name="s"),
        compiler_params=pltpu.CompilerParams(needs_layout_passes=False),
        scratch_types=[
            pltpu.VMEM((N,), jnp.int32),
            pltpu.VMEM((N,), jnp.int32),
            pltpu.VMEM((N,), jnp.int32),
            pltpu.VMEM((QP + 32,), jnp.int32),
            pltpu.VMEM((D, G), jnp.float32),
            pltpu.VMEM((N + 16,), jnp.int32),
            pltpu.VMEM((N + 16,), jnp.int32),
            pltpu.VMEM((QR + 1, W), jnp.float32),
            pltpu.VMEM((QR + 1, W), jnp.float32),
            pltpu.SemaphoreType.DMA,
            pltpu.SemaphoreType.DMA,
            pltpu.SemaphoreType.DMA,
        ],
    )
    return kfn(ys, xs, gs, emb_t)


def kernel(shape, list_gene, array_coord, emb_table):
    ys = array_coord[:, :, 0].astype(jnp.int32).reshape(-1)
    xs = array_coord[:, :, 1].astype(jnp.int32).reshape(-1)
    gs = list_gene.astype(jnp.int32).reshape(-1)
    emb_t = emb_table.astype(jnp.float32).T
    return _run(ys, xs, gs, emb_t)

# --- scband reference (transcript-rebuilt; emitter-appended) ---
"""Pipeline reference for scband-rnaembedding-33148557591016 (READ-ONLY COPY).

The authoritative reference and input builder live on the scoring server;
editing this copy changes nothing except your own understanding.
"""

import jax, jax.numpy as jnp
import numpy as np

B = 8
H = 256
W = 256
EMBED_DIM = 64
N_RNA = 8192
N_GENES = 500


def setup_inputs(seed: int = 0) -> dict:
    key = jax.random.key(seed)
    k1, k2, k3, k4 = jax.random.split(key, 4)
    list_gene = jax.random.randint(k1, (B, N_RNA), 0, N_GENES)
    ys = jax.random.randint(k2, (B, N_RNA), 0, H)
    xs = jax.random.randint(k3, (B, N_RNA), 0, W)
    array_coord = jnp.stack([ys, xs], axis=-1)
    emb_table = jax.random.normal(k4, (N_GENES, EMBED_DIM), dtype=jnp.float32) * 0.02
    emb_table = emb_table.at[0].set(0.0)  # special_index row zeroed, as in __init__
    return {
        "shape": (B, EMBED_DIM, H, W),
        "list_gene": list_gene,
        "array_coord": array_coord,
        "emb_table": emb_table,
    }


def reference(shape, list_gene, array_coord, emb_table):
    Hh = H
    Ww = W
    list_y = (array_coord[:, :, 0] % shape[-2]).astype(jnp.int32)
    list_x = (array_coord[:, :, 1] % shape[-1]).astype(jnp.int32)
    # embedding lookup (gather)
    emb = jnp.take(emb_table, list_gene, axis=0)  # [B, N_RNA, D]
    # zero out special-index embeddings (emb[list_gene == special_index] = 0)
    emb = jnp.where((list_gene == 0)[:, :, None], jnp.zeros((), jnp.float32), emb)
    d = emb_table.shape[-1]

    def scatter_one(y, x, e):
        img = jnp.zeros((Hh, Ww, d), dtype=jnp.float32)
        # index_put_ without accumulate == scatter-overwrite
        return img.at[y, x].set(e)

    rna_imgs = jax.vmap(scatter_one)(list_y, list_x, emb)  # [B, H, W, D]
    # permute(0, 3, 1, 2)
    return jnp.transpose(rna_imgs, (0, 3, 1, 2))

if __name__ == "__main__":
    import jax
    _d = setup_inputs()
    print(jax.jit(kernel)(*tuple(_d.values())))

</pallas_src>

<mosaic_0001>
#map = affine_map<(d0, d1) -> (0)>
#map1 = affine_map<(d0, d1) -> (0, 0)>
#map2 = affine_map<(d0, d1) -> (0, 0, 0, 0)>
module attributes {stable_mosaic.version = 14 : i64} {
  func.func @_body(%arg0: i32, %arg1: i32, %arg2: memref<65536xi32, #tpu.memory_space<hbm>>, %arg3: memref<65536xi32, #tpu.memory_space<hbm>>, %arg4: memref<65536xi32, #tpu.memory_space<hbm>>, %arg5: memref<64x500xf32, #tpu.memory_space<hbm>>, %arg6: memref<8x64x256x256xf32, #tpu.memory_space<hbm>>, %arg7: memref<8192xi32, #tpu.memory_space<vmem>>, %arg8: memref<8192xi32, #tpu.memory_space<vmem>>, %arg9: memref<8192xi32, #tpu.memory_space<vmem>>, %arg10: memref<16416xi32, #tpu.memory_space<vmem>>, %arg11: memref<64x500xf32, #tpu.memory_space<vmem>>, %arg12: memref<8208xi32, #tpu.memory_space<vmem>>, %arg13: memref<8208xi32, #tpu.memory_space<vmem>>, %arg14: memref<65x256xf32, #tpu.memory_space<vmem>>, %arg15: memref<65x256xf32, #tpu.memory_space<vmem>>, %arg16: memref<!tpu.dma_semaphore, #tpu.memory_space<semaphore_mem>>, %arg17: memref<!tpu.dma_semaphore, #tpu.memory_space<semaphore_mem>>, %arg18: memref<!tpu.dma_semaphore, #tpu.memory_space<semaphore_mem>>) attributes {dimension_semantics = [#tpu.dimension_semantics<core_parallel>, #tpu.dimension_semantics<subcore_parallel>], iteration_bounds = array<i64: 2, 16>, scalar_prefetch = 0 : i64, scratch_operands = 12 : i64, tpu.core_type = #tpu.core_type<sc_vector_subcore>, window_params = [{transform_indices = #map}, {transform_indices = #map}, {transform_indices = #map}, {transform_indices = #map1}, {transform_indices = #map2}]} {
    %mul3A = arith.constant 2 : i32
    %mul3A_0 = arith.muli %arg1, %mul3A : i32
    %add3A = arith.addi %mul3A_0, %arg0 : i32
    %jit3A = arith.constant 8 : i32
    %eq3A = arith.constant 0 : i32
    %eq3A_1 = arith.cmpi eq, %jit3A, %eq3A : i32
    %jit3A_2 = arith.constant 1 : i32
    %select_n3A = arith.select %eq3A_1, %jit3A_2, %jit3A : i32
    %rem3A = arith.remsi %add3A, %select_n3A : i32
    %ne3A = arith.constant 0 : i32
    %ne3A_3 = arith.cmpi ne, %rem3A, %ne3A : i32
    %lt3A = arith.constant 0 : i32
    %lt3A_4 = arith.cmpi slt, %rem3A, %lt3A : i32
    %lt3A_5 = arith.constant 0 : i32
    %lt3A_6 = arith.cmpi slt, %select_n3A, %lt3A_5 : i32
    %ne3A_7 = arith.xori %lt3A_4, %lt3A_6 : i1
    %and3A = arith.andi %ne3A_7, %ne3A_3 : i1
    %add3A_8 = arith.addi %rem3A, %select_n3A : i32
    %select_n3A_9 = arith.select %and3A, %add3A_8, %rem3A : i32
    %jit3A_10 = arith.constant 8 : i32
    %div3A = arith.divsi %add3A, %jit3A_10 : i32
    %sign3A = arith.constant 0 : i32
    %sign3A_11 = arith.cmpi sgt, %add3A, %sign3A : i32
    %sign3A_12 = arith.extui %sign3A_11 : i1 to i32
    %sign3A_13 = arith.constant 0 : i32
    %sign3A_14 = arith.cmpi slt, %add3A, %sign3A_13 : i32
    %sign3A_15 = arith.extui %sign3A_14 : i1 to i32
    %sign3A_16 = arith.subi %sign3A_12, %sign3A_15 : i32
    %sign3A_17 = arith.constant 0 : i32
    %sign3A_18 = arith.cmpi sgt, %jit3A_10, %sign3A_17 : i32
    %sign3A_19 = arith.extui %sign3A_18 : i1 to i32
    %sign3A_20 = arith.constant 0 : i32
    %sign3A_21 = arith.cmpi slt, %jit3A_10, %sign3A_20 : i32
    %sign3A_22 = arith.extui %sign3A_21 : i1 to i32
    %sign3A_23 = arith.subi %sign3A_19, %sign3A_22 : i32
    %ne3A_24 = arith.cmpi ne, %sign3A_16, %sign3A_23 : i32
    %rem3A_25 = arith.remsi %add3A, %jit3A_10 : i32
    %ne3A_26 = arith.constant 0 : i32
    %ne3A_27 = arith.cmpi ne, %rem3A_25, %ne3A_26 : i32
    %and3A_28 = arith.andi %ne3A_24, %ne3A_27 : i1
    %sub3A = arith.constant 1 : i32
    %sub3A_29 = arith.subi %div3A, %sub3A : i32
    %select_n3A_30 = arith.select %and3A_28, %sub3A_29, %div3A : i32
    %mul3A_31 = arith.constant 16384 : i32
    %mul3A_32 = arith.muli %select_n3A_30, %mul3A_31 : i32
    %mul3A_33 = arith.constant 8192 : i32
    %mul3A_34 = arith.muli %select_n3A_9, %mul3A_33 : i32
    %dma_start3A = tpu.memref_slice %arg2[%mul3A_34] : memref<65536xi32, #tpu.memory_space<hbm>> -> memref<8192xi32, #tpu.memory_space<hbm>>
    %dma_start3A_35 = tpu.memref_slice %arg2[%mul3A_34] : memref<65536xi32, #tpu.memory_space<hbm>> -> memref<8192xi32, #tpu.memory_space<hbm>>
    tpu.enqueue_dma source(%dma_start3A_35 : memref<8192xi32, #tpu.memory_space<hbm>>) target(%arg7 : memref<8192xi32, #tpu.memory_space<vmem>>) target_semaphore(%arg16 : memref<!tpu.dma_semaphore, #tpu.memory_space<semaphore_mem>>)
    %mul3A_36 = arith.constant 8192 : i32
    %mul3A_37 = arith.muli %select_n3A_9, %mul3A_36 : i32
    %dma_start3A_38 = tpu.memref_slice %arg3[%mul3A_37] : memref<65536xi32, #tpu.memory_space<hbm>> -> memref<8192xi32, #tpu.memory_space<hbm>>
    %dma_start3A_39 = tpu.memref_slice %arg3[%mul3A_37] : memref<65536xi32, #tpu.memory_space<hbm>> -> memref<8192xi32, #tpu.memory_space<hbm>>
    tpu.enqueue_dma source(%dma_start3A_39 : memref<8192xi32, #tpu.memory_space<hbm>>) target(%arg8 : memref<8192xi32, #tpu.memory_space<vmem>>) target_semaphore(%arg16 : memref<!tpu.dma_semaphore, #tpu.memory_space<semaphore_mem>>)
    %mul3A_40 = arith.constant 8192 : i32
    %mul3A_41 = arith.muli %select_n3A_9, %mul3A_40 : i32
    %dma_start3A_42 = tpu.memref_slice %arg4[%mul3A_41] : memref<65536xi32, #tpu.memory_space<hbm>> -> memref<8192xi32, #tpu.memory_space<hbm>>
    %dma_start3A_43 = tpu.memref_slice %arg4[%mul3A_41] : memref<65536xi32, #tpu.memory_space<hbm>> -> memref<8192xi32, #tpu.memory_space<hbm>>
    tpu.enqueue_dma source(%dma_start3A_43 : memref<8192xi32, #tpu.memory_space<hbm>>) target(%arg9 : memref<8192xi32, #tpu.memory_space<vmem>>) target_semaphore(%arg16 : memref<!tpu.dma_semaphore, #tpu.memory_space<semaphore_mem>>)
    tpu.enqueue_dma source(%arg5 : memref<64x500xf32, #tpu.memory_space<hbm>>) target(%arg11 : memref<64x500xf32, #tpu.memory_space<vmem>>) target_semaphore(%arg16 : memref<!tpu.dma_semaphore, #tpu.memory_space<semaphore_mem>>)
    %iota3A = tpu.iota {dimensions = array<i32: 0>} : vector<16xi32>
    %broadcast_in_dim3A = arith.constant 0 : i32
    %broadcast_in_dim3A_44 = vector.broadcast %broadcast_in_dim3A : i32 to vector<16xi32>
    %broadcast_in_dim3A_45 = arith.constant 0.000000e+00 : f32
    %broadcast_in_dim3A_46 = vector.broadcast %broadcast_in_dim3A_45 : f32 to vector<16xf32>
    %parallel_loop3A = arith.constant 0 : i32
    %parallel_loop3A_47 = arith.constant 16416 : i32
    %parallel_loop3A_48 = arith.constant 16 : i32
    scf.for %parallel_loop3A_144 = %parallel_loop3A to %parallel_loop3A_47 step %parallel_loop3A_48  : i32 {
      %parallel_loop3A_145 = arith.index_cast %parallel_loop3A_144 : i32 to index
      %parallel_loop3A_146 = tpu.vector_load %arg10[%parallel_loop3A_145] {strides = array<i32>} : memref<16416xi32, #tpu.memory_space<vmem>>, vector<16xi32>,
      tpu.vector_store %arg10[%parallel_loop3A_145], %broadcast_in_dim3A_44 {strides = array<i32>} : memref<16416xi32, #tpu.memory_space<vmem>>, vector<16xi32>,
    } {sc.loop_unroll_factor = 8 : i64, sc.parallel_access}
    %parallel_loop3A_49 = arith.constant 0 : i32
    %parallel_loop3A_50 = arith.constant 64 : i32
    %parallel_loop3A_51 = arith.constant 1 : i32
    scf.for %parallel_loop3A_144 = %parallel_loop3A_49 to %parallel_loop3A_50 step %parallel_loop3A_51  : i32 {
      %parallel_loop3A_145 = arith.constant 0 : i32
      %parallel_loop3A_146 = arith.constant 256 : i32
      %parallel_loop3A_147 = arith.constant 16 : i32
      scf.for %parallel_loop3A_148 = %parallel_loop3A_145 to %parallel_loop3A_146 step %parallel_loop3A_147  : i32 {
        %parallel_loop3A_149 = arith.index_cast %parallel_loop3A_144 : i32 to index
        %parallel_loop3A_150 = arith.index_cast %parallel_loop3A_148 : i32 to index
        %parallel_loop3A_151 = tpu.vector_load %arg14[%parallel_loop3A_149, %parallel_loop3A_150] {strides = array<i32>} : memref<65x256xf32, #tpu.memory_space<vmem>>, vector<16xf32>,
        tpu.vector_store %arg14[%parallel_loop3A_149, %parallel_loop3A_150], %broadcast_in_dim3A_46 {strides = array<i32>} : memref<65x256xf32, #tpu.memory_space<vmem>>, vector<16xf32>,
        %parallel_loop3A_152 = arith.index_cast %parallel_loop3A_144 : i32 to index
        %parallel_loop3A_153 = arith.index_cast %parallel_loop3A_148 : i32 to index
        %parallel_loop3A_154 = tpu.vector_load %arg15[%parallel_loop3A_152, %parallel_loop3A_153] {strides = array<i32>} : memref<65x256xf32, #tpu.memory_space<vmem>>, vector<16xf32>,
        tpu.vector_store %arg15[%parallel_loop3A_152, %parallel_loop3A_153], %broadcast_in_dim3A_46 {strides = array<i32>} : memref<65x256xf32, #tpu.memory_space<vmem>>, vector<16xf32>,
      } {sc.loop_unroll_factor = 8 : i64, sc.parallel_access}
    } {sc.loop_unroll_factor = 2 : i64, sc.parallel_access}
    %dma_wait3A = tpu.memref_slice %arg2[%mul3A_34] : memref<65536xi32, #tpu.memory_space<hbm>> -> memref<8192xi32, #tpu.memory_space<hbm>>
    %dma_wait3A_52 = tpu.memref_slice %arg2[%mul3A_34] : memref<65536xi32, #tpu.memory_space<hbm>> -> memref<8192xi32, #tpu.memory_space<hbm>>
    tpu.wait_dma2 semaphore(%arg16 : memref<!tpu.dma_semaphore, #tpu.memory_space<semaphore_mem>>) src(%dma_wait3A_52 : memref<8192xi32, #tpu.memory_space<hbm>>) dst(%arg7 : memref<8192xi32, #tpu.memory_space<vmem>>)
    %dma_wait3A_53 = tpu.memref_slice %arg3[%mul3A_37] : memref<65536xi32, #tpu.memory_space<hbm>> -> memref<8192xi32, #tpu.memory_space<hbm>>
    %dma_wait3A_54 = tpu.memref_slice %arg3[%mul3A_37] : memref<65536xi32, #tpu.memory_space<hbm>> -> memref<8192xi32, #tpu.memory_space<hbm>>
    tpu.wait_dma2 semaphore(%arg16 : memref<!tpu.dma_semaphore, #tpu.memory_space<semaphore_mem>>) src(%dma_wait3A_54 : memref<8192xi32, #tpu.memory_space<hbm>>) dst(%arg8 : memref<8192xi32, #tpu.memory_space<vmem>>)
    %dma_wait3A_55 = tpu.memref_slice %arg4[%mul3A_41] : memref<65536xi32, #tpu.memory_space<hbm>> -> memref<8192xi32, #tpu.memory_space<hbm>>
    %dma_wait3A_56 = tpu.memref_slice %arg4[%mul3A_41] : memref<65536xi32, #tpu.memory_space<hbm>> -> memref<8192xi32, #tpu.memory_space<hbm>>
    tpu.wait_dma2 semaphore(%arg16 : memref<!tpu.dma_semaphore, #tpu.memory_space<semaphore_mem>>) src(%dma_wait3A_56 : memref<8192xi32, #tpu.memory_space<hbm>>) dst(%arg9 : memref<8192xi32, #tpu.memory_space<vmem>>)
    tpu.wait_dma2 semaphore(%arg16 : memref<!tpu.dma_semaphore, #tpu.memory_space<semaphore_mem>>) src(%arg5 : memref<64x500xf32, #tpu.memory_space<hbm>>) dst(%arg11 : memref<64x500xf32, #tpu.memory_space<vmem>>)
    %scan3A = arith.constant 0 : i32
    %scan3A_57 = arith.constant 0 : i32
    %scan3A_58 = arith.constant 256 : i32
    %scan3A_59 = arith.addi %scan3A_57, %scan3A_58 : i32
    %scan3A_60 = arith.constant 1 : i32
    scf.for %scan3A_144 = %scan3A_57 to %scan3A_59 step %scan3A_60  : i32 {
      %mul3A_145 = arith.constant 32 : i32
      %mul3A_146 = arith.muli %scan3A_144, %mul3A_145 : i32
      %get3A = arith.index_cast %mul3A_146 : i32 to index
      %get3A_147 = tpu.vector_load %arg7[%get3A] {strides = array<i32>} : memref<8192xi32, #tpu.memory_space<vmem>>, vector<16xi32>,
      %get3A_148 = arith.index_cast %mul3A_146 : i32 to index
      %get3A_149 = tpu.vector_load %arg8[%get3A_148] {strides = array<i32>} : memref<8192xi32, #tpu.memory_space<vmem>>, vector<16xi32>,
      %get3A_150 = arith.index_cast %mul3A_146 : i32 to index
      %get3A_151 = tpu.vector_load %arg9[%get3A_150] {strides = array<i32>} : memref<8192xi32, #tpu.memory_space<vmem>>, vector<16xi32>,
      %mul3A_152 = arith.constant 256 : i32
      %mul3A_153 = vector.broadcast %mul3A_152 : i32 to vector<16xi32>
      %mul3A_154 = arith.muli %get3A_147, %mul3A_153 : vector<16xi32>
      %add3A_155 = arith.addi %mul3A_154, %get3A_149 : vector<16xi32>
      %sub3A_156 = vector.broadcast %mul3A_32 : i32 to vector<16xi32>
      %sub3A_157 = arith.subi %add3A_155, %sub3A_156 : vector<16xi32>
      %ge3A = arith.constant 0 : i32
      %ge3A_158 = vector.broadcast %ge3A : i32 to vector<16xi32>
      %ge3A_159 = arith.cmpi sge, %sub3A_157, %ge3A_158 : vector<16xi32>
      %lt3A_160 = arith.constant 16384 : i32
      %lt3A_161 = vector.broadcast %lt3A_160 : i32 to vector<16xi32>
      %lt3A_162 = arith.cmpi slt, %sub3A_157, %lt3A_161 : vector<16xi32>
      %and3A_163 = arith.andi %ge3A_159, %lt3A_162 : vector<16xi1>
      %jit3A_164 = arith.constant 16384 : i32
      %broadcast_in_dim3A_165 = vector.broadcast %jit3A_164 : i32 to vector<16xi32>
      %select_n3A_166 = arith.select %and3A_163, %sub3A_157, %broadcast_in_dim3A_165 : vector<16xi1>, vector<16xi32>
      %mul3A_167 = arith.constant 16 : i32
      %mul3A_168 = vector.broadcast %mul3A_167 : i32 to vector<16xi32>
      %mul3A_169 = arith.muli %select_n3A_166, %mul3A_168 : vector<16xi32>
      %add3A_170 = arith.addi %mul3A_169, %iota3A : vector<16xi32>
      %masked_sort3A = arith.constant dense<true> : vector<16xi1>
      %masked_sort3A_171 = arith.constant -2147483648 : i32
      %masked_sort3A_172 = vector.broadcast %masked_sort3A_171 : i32 to vector<16xi32>
      %masked_sort3A_173 = arith.xori %add3A_170, %masked_sort3A_172 : vector<16xi32>
      %masked_sort3A_174, %masked_sort3A_175, %masked_sort3A_176 = tpu.sort %masked_sort3A_173, %get3A_151 masked %masked_sort3A : (vector<16xi32>, vector<16xi32>, vector<16xi1>) -> (vector<16xi1>, vector<16xi32>, vector<16xi32>)
      %masked_sort3A_177 = arith.xori %masked_sort3A_175, %masked_sort3A_172 : vector<16xi32>
      %shift_right_arithmetic3A = arith.constant 4 : i32
      %shift_right_arithmetic3A_178 = vector.broadcast %shift_right_arithmetic3A : i32 to vector<16xi32>
      %shift_right_arithmetic3A_179 = arith.shrsi %masked_sort3A_177, %shift_right_arithmetic3A_178 : vector<16xi32>
      %add3A_180 = arith.constant 1 : i32
      %add3A_181 = vector.broadcast %add3A_180 : i32 to vector<16xi32>
      %add3A_182 = arith.addi %iota3A, %add3A_181 : vector<16xi32>
      %and3A_183 = arith.constant 15 : i32
      %and3A_184 = vector.broadcast %and3A_183 : i32 to vector<16xi32>
      %and3A_185 = arith.andi %add3A_182, %and3A_184 : vector<16xi32>
      %lt3A_186 = arith.constant 0 : i32
      %lt3A_187 = vector.broadcast %lt3A_186 : i32 to vector<16xi32>
      %lt3A_188 = arith.cmpi slt, %and3A_185, %lt3A_187 : vector<16xi32>
      %add3A_189 = arith.constant 16 : i32
      %add3A_190 = vector.broadcast %add3A_189 : i32 to vector<16xi32>
      %add3A_191 = arith.addi %and3A_185, %add3A_190 : vector<16xi32>
      %select_n3A_192 = arith.select %lt3A_188, %add3A_191, %and3A_185 : vector<16xi1>, vector<16xi32>
      %broadcast_in_dim3A_193 = vector.shape_cast %select_n3A_192 : vector<16xi32> to vector<16x1xi32>
      %gather3A = vector.shape_cast %broadcast_in_dim3A_193 : vector<16x1xi32> to vector<16xi32>
      %gather3A_194 = tpu.dynamic_gather %shift_right_arithmetic3A_179[%gather3A] in [0] : vector<16xi32>, vector<16xi32> -> vector<16xi32>
      %ne3A_195 = arith.cmpi ne, %shift_right_arithmetic3A_179, %gather3A_194 : vector<16xi32>
      %eq3A_196 = arith.constant 15 : i32
      %eq3A_197 = vector.broadcast %eq3A_196 : i32 to vector<16xi32>
      %eq3A_198 = arith.cmpi eq, %iota3A, %eq3A_197 : vector<16xi32>
      %or3A = arith.ori %ne3A_195, %eq3A_198 : vector<16xi1>
      %mul3A_199 = arith.constant 32 : i32
      %mul3A_200 = arith.muli %scan3A_144, %mul3A_199 : i32
      %add3A_201 = arith.constant 16 : i32
      %add3A_202 = arith.addi %mul3A_200, %add3A_201 : i32
      %get3A_203 = arith.index_cast %add3A_202 : i32 to index
      %get3A_204 = tpu.vector_load %arg7[%get3A_203] {strides = array<i32>} : memref<8192xi32, #tpu.memory_space<vmem>>, vector<16xi32>,
      %get3A_205 = arith.index_cast %add3A_202 : i32 to index
      %get3A_206 = tpu.vector_load %arg8[%get3A_205] {strides = array<i32>} : memref<8192xi32, #tpu.memory_space<vmem>>, vector<16xi32>,
      %get3A_207 = arith.index_cast %add3A_202 : i32 to index
      %get3A_208 = tpu.vector_load %arg9[%get3A_207] {strides = array<i32>} : memref<8192xi32, #tpu.memory_space<vmem>>, vector<16xi32>,
      %mul3A_209 = arith.constant 256 : i32
      %mul3A_210 = vector.broadcast %mul3A_209 : i32 to vector<16xi32>
      %mul3A_211 = arith.muli %get3A_204, %mul3A_210 : vector<16xi32>
      %add3A_212 = arith.addi %mul3A_211, %get3A_206 : vector<16xi32>
      %sub3A_213 = vector.broadcast %mul3A_32 : i32 to vector<16xi32>
      %sub3A_214 = arith.subi %add3A_212, %sub3A_213 : vector<16xi32>
      %ge3A_215 = arith.constant 0 : i32
      %ge3A_216 = vector.broadcast %ge3A_215 : i32 to vector<16xi32>
      %ge3A_217 = arith.cmpi sge, %sub3A_214, %ge3A_216 : vector<16xi32>
      %lt3A_218 = arith.constant 16384 : i32
      %lt3A_219 = vector.broadcast %lt3A_218 : i32 to vector<16xi32>
      %lt3A_220 = arith.cmpi slt, %sub3A_214, %lt3A_219 : vector<16xi32>
      %and3A_221 = arith.andi %ge3A_217, %lt3A_220 : vector<16xi1>
      %jit3A_222 = arith.constant 16384 : i32
      %broadcast_in_dim3A_223 = vector.broadcast %jit3A_222 : i32 to vector<16xi32>
      %select_n3A_224 = arith.select %and3A_221, %sub3A_214, %broadcast_in_dim3A_223 : vector<16xi1>, vector<16xi32>
      %mul3A_225 = arith.constant 16 : i32
      %mul3A_226 = vector.broadcast %mul3A_225 : i32 to vector<16xi32>
      %mul3A_227 = arith.muli %select_n3A_224, %mul3A_226 : vector<16xi32>
      %add3A_228 = arith.addi %mul3A_227, %iota3A : vector<16xi32>
      %masked_sort3A_229 = arith.constant dense<true> : vector<16xi1>
      %masked_sort3A_230 = arith.constant -2147483648 : i32
      %masked_sort3A_231 = vector.broadcast %masked_sort3A_230 : i32 to vector<16xi32>
      %masked_sort3A_232 = arith.xori %add3A_228, %masked_sort3A_231 : vector<16xi32>
      %masked_sort3A_233, %masked_sort3A_234, %masked_sort3A_235 = tpu.sort %masked_sort3A_232, %get3A_208 masked %masked_sort3A_229 : (vector<16xi32>, vector<16xi32>, vector<16xi1>) -> (vector<16xi1>, vector<16xi32>, vector<16xi32>)
      %masked_sort3A_236 = arith.xori %masked_sort3A_234, %masked_sort3A_231 : vector<16xi32>
      %shift_right_arithmetic3A_237 = arith.constant 4 : i32
      %shift_right_arithmetic3A_238 = vector.broadcast %shift_right_arithmetic3A_237 : i32 to vector<16xi32>
      %shift_right_arithmetic3A_239 = arith.shrsi %masked_sort3A_236, %shift_right_arithmetic3A_238 : vector<16xi32>
      %add3A_240 = arith.constant 1 : i32
      %add3A_241 = vector.broadcast %add3A_240 : i32 to vector<16xi32>
      %add3A_242 = arith.addi %iota3A, %add3A_241 : vector<16xi32>
      %and3A_243 = arith.constant 15 : i32
      %and3A_244 = vector.broadcast %and3A_243 : i32 to vector<16xi32>
      %and3A_245 = arith.andi %add3A_242, %and3A_244 : vector<16xi32>
      %lt3A_246 = arith.constant 0 : i32
      %lt3A_247 = vector.broadcast %lt3A_246 : i32 to vector<16xi32>
      %lt3A_248 = arith.cmpi slt, %and3A_245, %lt3A_247 : vector<16xi32>
      %add3A_249 = arith.constant 16 : i32
      %add3A_250 = vector.broadcast %add3A_249 : i32 to vector<16xi32>
      %add3A_251 = arith.addi %and3A_245, %add3A_250 : vector<16xi32>
      %select_n3A_252 = arith.select %lt3A_248, %add3A_251, %and3A_245 : vector<16xi1>, vector<16xi32>
      %broadcast_in_dim3A_253 = vector.shape_cast %select_n3A_252 : vector<16xi32> to vector<16x1xi32>
      %gather3A_254 = vector.shape_cast %broadcast_in_dim3A_253 : vector<16x1xi32> to vector<16xi32>
      %gather3A_255 = tpu.dynamic_gather %shift_right_arithmetic3A_239[%gather3A_254] in [0] : vector<16xi32>, vector<16xi32> -> vector<16xi32>
      %ne3A_256 = arith.cmpi ne, %shift_right_arithmetic3A_239, %gather3A_255 : vector<16xi32>
      %eq3A_257 = arith.constant 15 : i32
      %eq3A_258 = vector.broadcast %eq3A_257 : i32 to vector<16xi32>
      %eq3A_259 = arith.cmpi eq, %iota3A, %eq3A_258 : vector<16xi32>
      %or3A_260 = arith.ori %ne3A_256, %eq3A_259 : vector<16xi1>
      tpu.vector_store_idx %arg10[%shift_right_arithmetic3A_179], %masked_sort3A_176 masked %or3A : memref<16416xi32, #tpu.memory_space<vmem>>[vector<16xi32>], vector<16xi32>, vector<16xi1>
      tpu.vector_store_idx %arg10[%shift_right_arithmetic3A_239], %masked_sort3A_235 masked %or3A_260 : memref<16416xi32, #tpu.memory_space<vmem>>[vector<16xi32>], vector<16xi32>, vector<16xi1>
    }
    %scan3A_61 = arith.constant 256 : i32
    %parallel_loop3A_62 = arith.constant 0 : i32
    %parallel_loop3A_63 = arith.constant 16384 : i32
    %parallel_loop3A_64 = arith.constant 16 : i32
    %parallel_loop3A_65 = arith.constant 0 : i32
    %parallel_loop3A_66 = scf.for %parallel_loop3A_144 = %parallel_loop3A_62 to %parallel_loop3A_63 step %parallel_loop3A_64 iter_args(%parallel_loop3A_145 = %parallel_loop3A_65) -> (i32)  : i32 {
      %parallel_loop3A_146 = arith.index_cast %parallel_loop3A_144 : i32 to index
      %parallel_loop3A_147 = tpu.vector_load %arg10[%parallel_loop3A_146] {strides = array<i32>} : memref<16416xi32, #tpu.memory_space<vmem>>, vector<16xi32>,
      %parallel_loop3A_148 = arith.constant 0 : i32
      %parallel_loop3A_149 = vector.broadcast %parallel_loop3A_148 : i32 to vector<16xi32>
      %parallel_loop3A_150 = arith.cmpi ne, %parallel_loop3A_147, %parallel_loop3A_149 : vector<16xi32>
      %parallel_loop3A_151 = vector.broadcast %parallel_loop3A_144 : i32 to vector<16xi32>
      %parallel_loop3A_152 = arith.addi %parallel_loop3A_151, %iota3A : vector<16xi32>
      %parallel_loop3A_153 = arith.index_cast %parallel_loop3A_145 : i32 to index
      %parallel_loop3A_154 = tpu.vector_load %arg12[%parallel_loop3A_153] masked %parallel_loop3A_150 {strides = array<i32>} : memref<8208xi32, #tpu.memory_space<vmem>>, vector<16xi32>, vector<16xi1>
      tpu.vector_store %arg12[%parallel_loop3A_153], %parallel_loop3A_152 masked %parallel_loop3A_150 {strides = array<i32>} : memref<8208xi32, #tpu.memory_space<vmem>>, vector<16xi32>, vector<16xi1>
      %parallel_loop3A_155 = arith.index_cast %parallel_loop3A_145 : i32 to index
      %parallel_loop3A_156 = tpu.vector_load %arg13[%parallel_loop3A_155] masked %parallel_loop3A_150 {strides = array<i32>} : memref<8208xi32, #tpu.memory_space<vmem>>, vector<16xi32>, vector<16xi1>
      tpu.vector_store %arg13[%parallel_loop3A_155], %parallel_loop3A_147 masked %parallel_loop3A_150 {strides = array<i32>} : memref<8208xi32, #tpu.memory_space<vmem>>, vector<16xi32>, vector<16xi1>
      %parallel_loop3A_157 = arith.extui %parallel_loop3A_150 : vector<16xi1> to vector<16xi32>
      %parallel_loop3A_158 = arith.constant true
      %parallel_loop3A_159 = vector.broadcast %parallel_loop3A_158 : i1 to vector<16xi1>
      %parallel_loop3A_160 = tpu.scan <sum>, %parallel_loop3A_157 masked %parallel_loop3A_159 : vector<16xi32>, vector<16xi1> -> vector<16xi32>
      %parallel_loop3A_161 = vector.extract %parallel_loop3A_160[15] : i32 from vector<16xi32>
      %parallel_loop3A_162 = arith.addi %parallel_loop3A_145, %parallel_loop3A_161 : i32
      scf.yield %parallel_loop3A_162 : i32
    } {sc.loop_unroll_factor = 4 : i64, sc.parallel_access}
    %broadcast_in_dim3A_67 = arith.constant 16384 : i32
    %broadcast_in_dim3A_68 = vector.broadcast %broadcast_in_dim3A_67 : i32 to vector<16xi32>
    %swap3A = arith.index_cast %parallel_loop3A_66 : i32 to index
    %swap3A_69 = tpu.vector_load %arg12[%swap3A] {strides = array<i32>} : memref<8208xi32, #tpu.memory_space<vmem>>, vector<16xi32>,
    tpu.vector_store %arg12[%swap3A], %broadcast_in_dim3A_68 {strides = array<i32>} : memref<8208xi32, #tpu.memory_space<vmem>>, vector<16xi32>,
    %swap3A_70 = arith.index_cast %parallel_loop3A_66 : i32 to index
    %swap3A_71 = tpu.vector_load %arg13[%swap3A_70] {strides = array<i32>} : memref<8208xi32, #tpu.memory_space<vmem>>, vector<16xi32>,
    tpu.vector_store %arg13[%swap3A_70], %broadcast_in_dim3A_44 {strides = array<i32>} : memref<8208xi32, #tpu.memory_space<vmem>>, vector<16xi32>,
    %add3A_72 = arith.constant 15 : i32
    %add3A_73 = arith.addi %parallel_loop3A_66, %add3A_72 : i32
    %and3A_74 = arith.constant -16 : i32
    %and3A_75 = arith.andi %add3A_73, %and3A_74 : i32
    %mul3A_76 = arith.constant 64 : i32
    %mul3A_77 = arith.muli %select_n3A_30, %mul3A_76 : i32
    %broadcast_in_dim3A_78 = arith.constant 0 : i32
    %broadcast_in_dim3A_79 = vector.broadcast %broadcast_in_dim3A_78 : i32 to vector<16xi32>
    %parallel_loop3A_80 = arith.constant 0 : i32
    %parallel_loop3A_81 = arith.constant 16 : i32
    scf.for %parallel_loop3A_144 = %parallel_loop3A_80 to %and3A_75 step %parallel_loop3A_81  : i32 {
      %parallel_loop3A_145 = arith.index_cast %parallel_loop3A_144 : i32 to index
      %parallel_loop3A_146 = tpu.vector_load %arg12[%parallel_loop3A_145] {strides = array<i32>} : memref<8208xi32, #tpu.memory_space<vmem>>, vector<16xi32>,
      %parallel_loop3A_147 = arith.index_cast %parallel_loop3A_144 : i32 to index
      %parallel_loop3A_148 = tpu.vector_load %arg13[%parallel_loop3A_147] {strides = array<i32>} : memref<8208xi32, #tpu.memory_space<vmem>>, vector<16xi32>,
      %parallel_loop3A_149 = tpu.vector_load_idx %arg11[%broadcast_in_dim3A_79, %parallel_loop3A_148] : memref<64x500xf32, #tpu.memory_space<vmem>>[vector<16xi32>, vector<16xi32>], vector<16xf32>,
      %parallel_loop3A_150 = arith.constant 8 : i32
      %parallel_loop3A_151 = vector.broadcast %parallel_loop3A_150 : i32 to vector<16xi32>
      %parallel_loop3A_152 = arith.shrsi %parallel_loop3A_146, %parallel_loop3A_151 : vector<16xi32>
      %parallel_loop3A_153 = arith.constant 255 : i32
      %parallel_loop3A_154 = vector.broadcast %parallel_loop3A_153 : i32 to vector<16xi32>
      %parallel_loop3A_155 = arith.andi %parallel_loop3A_146, %parallel_loop3A_154 : vector<16xi32>
      tpu.vector_store_idx %arg14[%parallel_loop3A_152, %parallel_loop3A_155], %parallel_loop3A_149 : memref<65x256xf32, #tpu.memory_space<vmem>>[vector<16xi32>, vector<16xi32>], vector<16xf32>,
    } {sc.loop_unroll_factor = 8 : i64, sc.parallel_access}
    %dma_start3A_82 = arith.constant 0 : i32
    %dma_start3A_83 = arith.constant 0 : i32
    %dma_start3A_84 = arith.constant 0 : i32
    %dma_start3A_85 = tpu.memref_slice %arg14[%dma_start3A_83, %dma_start3A_84] : memref<65x256xf32, #tpu.memory_space<vmem>> -> memref<64x256xf32, #tpu.memory_space<vmem>>
    %dma_start3A_86 = arith.constant 0 : i32
    %dma_start3A_87 = tpu.memref_slice %arg6[%select_n3A_9, %dma_start3A_82, %mul3A_77, %dma_start3A_86] : memref<8x64x256x256xf32, #tpu.memory_space<hbm>> -> memref<1x1x64x256xf32, #tpu.memory_space<hbm>>
    %dma_start3A_88 = tpu.memref_squeeze %dma_start3A_87 : memref<1x1x64x256xf32, #tpu.memory_space<hbm>> -> memref<64x256xf32, #tpu.memory_space<hbm>>
    %dma_start3A_89 = arith.constant 0 : i32
    %dma_start3A_90 = tpu.memref_slice %arg6[%select_n3A_9, %dma_start3A_82, %mul3A_77, %dma_start3A_89] : memref<8x64x256x256xf32, #tpu.memory_space<hbm>> -> memref<1x1x64x256xf32, #tpu.memory_space<hbm>>
    %dma_start3A_91 = tpu.memref_squeeze %dma_start3A_90 : memref<1x1x64x256xf32, #tpu.memory_space<hbm>> -> memref<64x256xf32, #tpu.memory_space<hbm>>
    %dma_start3A_92 = arith.constant 0 : i32
    %dma_start3A_93 = arith.constant 0 : i32
    %dma_start3A_94 = tpu.memref_slice %arg14[%dma_start3A_92, %dma_start3A_93] : memref<65x256xf32, #tpu.memory_space<vmem>> -> memref<64x256xf32, #tpu.memory_space<vmem>>
    tpu.enqueue_dma source(%dma_start3A_94 : memref<64x256xf32, #tpu.memory_space<vmem>>) target(%dma_start3A_91 : memref<64x256xf32, #tpu.memory_space<hbm>>) target_semaphore(%arg17 : memref<!tpu.dma_semaphore, #tpu.memory_space<semaphore_mem>>)
    %broadcast_in_dim3A_95 = arith.constant 1 : i32
    %broadcast_in_dim3A_96 = vector.broadcast %broadcast_in_dim3A_95 : i32 to vector<16xi32>
    %parallel_loop3A_97 = arith.constant 0 : i32
    %parallel_loop3A_98 = arith.constant 16 : i32
    scf.for %parallel_loop3A_144 = %parallel_loop3A_97 to %and3A_75 step %parallel_loop3A_98  : i32 {
      %parallel_loop3A_145 = arith.index_cast %parallel_loop3A_144 : i32 to index
      %parallel_loop3A_146 = tpu.vector_load %arg12[%parallel_loop3A_145] {strides = array<i32>} : memref<8208xi32, #tpu.memory_space<vmem>>, vector<16xi32>,
      %parallel_loop3A_147 = arith.index_cast %parallel_loop3A_144 : i32 to index
      %parallel_loop3A_148 = tpu.vector_load %arg13[%parallel_loop3A_147] {strides = array<i32>} : memref<8208xi32, #tpu.memory_space<vmem>>, vector<16xi32>,
      %parallel_loop3A_149 = tpu.vector_load_idx %arg11[%broadcast_in_dim3A_96, %parallel_loop3A_148] : memref<64x500xf32, #tpu.memory_space<vmem>>[vector<16xi32>, vector<16xi32>], vector<16xf32>,
      %parallel_loop3A_150 = arith.constant 8 : i32
      %parallel_loop3A_151 = vector.broadcast %parallel_loop3A_150 : i32 to vector<16xi32>
      %parallel_loop3A_152 = arith.shrsi %parallel_loop3A_146, %parallel_loop3A_151 : vector<16xi32>
      %parallel_loop3A_153 = arith.constant 255 : i32
      %parallel_loop3A_154 = vector.broadcast %parallel_loop3A_153 : i32 to vector<16xi32>
      %parallel_loop3A_155 = arith.andi %parallel_loop3A_146, %parallel_loop3A_154 : vector<16xi32>
      tpu.vector_store_idx %arg15[%parallel_loop3A_152, %parallel_loop3A_155], %parallel_loop3A_149 : memref<65x256xf32, #tpu.memory_space<vmem>>[vector<16xi32>, vector<16xi32>], vector<16xf32>,
    } {sc.loop_unroll_factor = 8 : i64, sc.parallel_access}
    %dma_start3A_99 = arith.constant 1 : i32
    %dma_start3A_100 = arith.constant 0 : i32
    %dma_start3A_101 = arith.constant 0 : i32
    %dma_start3A_102 = tpu.memref_slice %arg15[%dma_start3A_100, %dma_start3A_101] : memref<65x256xf32, #tpu.memory_space<vmem>> -> memref<64x256xf32, #tpu.memory_space<vmem>>
    %dma_start3A_103 = arith.constant 0 : i32
    %dma_start3A_104 = tpu.memref_slice %arg6[%select_n3A_9, %dma_start3A_99, %mul3A_77, %dma_start3A_103] : memref<8x64x256x256xf32, #tpu.memory_space<hbm>> -> memref<1x1x64x256xf32, #tpu.memory_space<hbm>>
    %dma_start3A_105 = tpu.memref_squeeze %dma_start3A_104 : memref<1x1x64x256xf32, #tpu.memory_space<hbm>> -> memref<64x256xf32, #tpu.memory_space<hbm>>
    %dma_start3A_106 = arith.constant 0 : i32
    %dma_start3A_107 = tpu.memref_slice %arg6[%select_n3A_9, %dma_start3A_99, %mul3A_77, %dma_start3A_106] : memref<8x64x256x256xf32, #tpu.memory_space<hbm>> -> memref<1x1x64x256xf32, #tpu.memory_space<hbm>>
    %dma_start3A_108 = tpu.memref_squeeze %dma_start3A_107 : memref<1x1x64x256xf32, #tpu.memory_space<hbm>> -> memref<64x256xf32, #tpu.memory_space<hbm>>
    %dma_start3A_109 = arith.constant 0 : i32
    %dma_start3A_110 = arith.constant 0 : i32
    %dma_start3A_111 = tpu.memref_slice %arg15[%dma_start3A_109, %dma_start3A_110] : memref<65x256xf32, #tpu.memory_space<vmem>> -> memref<64x256xf32, #tpu.memory_space<vmem>>
    tpu.enqueue_dma source(%dma_start3A_111 : memref<64x256xf32, #tpu.memory_space<vmem>>) target(%dma_start3A_108 : memref<64x256xf32, #tpu.memory_space<hbm>>) target_semaphore(%arg18 : memref<!tpu.dma_semaphore, #tpu.memory_space<semaphore_mem>>)
    %scan3A_112 = arith.constant 0 : i32
    %scan3A_113 = arith.constant 1 : i32
    %scan3A_114 = arith.constant 31 : i32
    %scan3A_115 = arith.addi %scan3A_113, %scan3A_114 : i32
    %scan3A_116 = arith.constant 1 : i32
    scf.for %scan3A_144 = %scan3A_113 to %scan3A_115 step %scan3A_116  : i32 {
      %mul3A_145 = arith.constant 2 : i32
      %mul3A_146 = arith.muli %scan3A_144, %mul3A_145 : i32
      %dma_wait3A_147 = arith.constant 0 : i32
      %dma_wait3A_148 = arith.constant 0 : i32
      %dma_wait3A_149 = arith.constant 0 : i32
      %dma_wait3A_150 = tpu.memref_slice %arg14[%dma_wait3A_148, %dma_wait3A_149] : memref<65x256xf32, #tpu.memory_space<vmem>> -> memref<64x256xf32, #tpu.memory_space<vmem>>
      %dma_wait3A_151 = arith.constant 0 : i32
      %dma_wait3A_152 = tpu.memref_slice %arg6[%select_n3A_9, %dma_wait3A_147, %mul3A_77, %dma_wait3A_151] : memref<8x64x256x256xf32, #tpu.memory_space<hbm>> -> memref<1x1x64x256xf32, #tpu.memory_space<hbm>>
      %dma_wait3A_153 = tpu.memref_squeeze %dma_wait3A_152 : memref<1x1x64x256xf32, #tpu.memory_space<hbm>> -> memref<64x256xf32, #tpu.memory_space<hbm>>
      %dma_wait3A_154 = arith.constant 0 : i32
      %dma_wait3A_155 = tpu.memref_slice %arg6[%select_n3A_9, %dma_wait3A_147, %mul3A_77, %dma_wait3A_154] : memref<8x64x256x256xf32, #tpu.memory_space<hbm>> -> memref<1x1x64x256xf32, #tpu.memory_space<hbm>>
      %dma_wait3A_156 = tpu.memref_squeeze %dma_wait3A_155 : memref<1x1x64x256xf32, #tpu.memory_space<hbm>> -> memref<64x256xf32, #tpu.memory_space<hbm>>
      %dma_wait3A_157 = arith.constant 0 : i32
      %dma_wait3A_158 = arith.constant 0 : i32
      %dma_wait3A_159 = tpu.memref_slice %arg14[%dma_wait3A_157, %dma_wait3A_158] : memref<65x256xf32, #tpu.memory_space<vmem>> -> memref<64x256xf32, #tpu.memory_space<vmem>>
      tpu.wait_dma2 semaphore(%arg17 : memref<!tpu.dma_semaphore, #tpu.memory_space<semaphore_mem>>) src(%dma_wait3A_159 : memref<64x256xf32, #tpu.memory_space<vmem>>) dst(%dma_wait3A_156 : memref<64x256xf32, #tpu.memory_space<hbm>>)
      %broadcast_in_dim3A_160 = vector.broadcast %mul3A_146 : i32 to vector<16xi32>
      %parallel_loop3A_161 = arith.constant 0 : i32
      %parallel_loop3A_162 = arith.constant 16 : i32
      scf.for %parallel_loop3A_207 = %parallel_loop3A_161 to %and3A_75 step %parallel_loop3A_162  : i32 {
        %parallel_loop3A_208 = arith.index_cast %parallel_loop3A_207 : i32 to index
        %parallel_loop3A_209 = tpu.vector_load %arg12[%parallel_loop3A_208] {strides = array<i32>} : memref<8208xi32, #tpu.memory_space<vmem>>, vector<16xi32>,
        %parallel_loop3A_210 = arith.index_cast %parallel_loop3A_207 : i32 to index
        %parallel_loop3A_211 = tpu.vector_load %arg13[%parallel_loop3A_210] {strides = array<i32>} : memref<8208xi32, #tpu.memory_space<vmem>>, vector<16xi32>,
        %parallel_loop3A_212 = tpu.vector_load_idx %arg11[%broadcast_in_dim3A_160, %parallel_loop3A_211] : memref<64x500xf32, #tpu.memory_space<vmem>>[vector<16xi32>, vector<16xi32>], vector<16xf32>,
        %parallel_loop3A_213 = arith.constant 8 : i32
        %parallel_loop3A_214 = vector.broadcast %parallel_loop3A_213 : i32 to vector<16xi32>
        %parallel_loop3A_215 = arith.shrsi %parallel_loop3A_209, %parallel_loop3A_214 : vector<16xi32>
        %parallel_loop3A_216 = arith.constant 255 : i32
        %parallel_loop3A_217 = vector.broadcast %parallel_loop3A_216 : i32 to vector<16xi32>
        %parallel_loop3A_218 = arith.andi %parallel_loop3A_209, %parallel_loop3A_217 : vector<16xi32>
        tpu.vector_store_idx %arg14[%parallel_loop3A_215, %parallel_loop3A_218], %parallel_loop3A_212 : memref<65x256xf32, #tpu.memory_space<vmem>>[vector<16xi32>, vector<16xi32>], vector<16xf32>,
      } {sc.loop_unroll_factor = 8 : i64, sc.parallel_access}
      %dma_start3A_163 = arith.constant 0 : i32
      %dma_start3A_164 = arith.constant 0 : i32
      %dma_start3A_165 = tpu.memref_slice %arg14[%dma_start3A_163, %dma_start3A_164] : memref<65x256xf32, #tpu.memory_space<vmem>> -> memref<64x256xf32, #tpu.memory_space<vmem>>
      %dma_start3A_166 = arith.constant 0 : i32
      %dma_start3A_167 = tpu.memref_slice %arg6[%select_n3A_9, %mul3A_146, %mul3A_77, %dma_start3A_166] : memref<8x64x256x256xf32, #tpu.memory_space<hbm>> -> memref<1x1x64x256xf32, #tpu.memory_space<hbm>>
      %dma_start3A_168 = tpu.memref_squeeze %dma_start3A_167 : memref<1x1x64x256xf32, #tpu.memory_space<hbm>> -> memref<64x256xf32, #tpu.memory_space<hbm>>
      %dma_start3A_169 = arith.constant 0 : i32
      %dma_start3A_170 = tpu.memref_slice %arg6[%select_n3A_9, %mul3A_146, %mul3A_77, %dma_start3A_169] : memref<8x64x256x256xf32, #tpu.memory_space<hbm>> -> memref<1x1x64x256xf32, #tpu.memory_space<hbm>>
      %dma_start3A_171 = tpu.memref_squeeze %dma_start3A_170 : memref<1x1x64x256xf32, #tpu.memory_space<hbm>> -> memref<64x256xf32, #tpu.memory_space<hbm>>
      %dma_start3A_172 = arith.constant 0 : i32
      %dma_start3A_173 = arith.constant 0 : i32
      %dma_start3A_174 = tpu.memref_slice %arg14[%dma_start3A_172, %dma_start3A_173] : memref<65x256xf32, #tpu.memory_space<vmem>> -> memref<64x256xf32, #tpu.memory_space<vmem>>
      tpu.enqueue_dma source(%dma_start3A_174 : memref<64x256xf32, #tpu.memory_space<vmem>>) target(%dma_start3A_171 : memref<64x256xf32, #tpu.memory_space<hbm>>) target_semaphore(%arg17 : memref<!tpu.dma_semaphore, #tpu.memory_space<semaphore_mem>>)
      %dma_wait3A_175 = arith.constant 0 : i32
      %dma_wait3A_176 = arith.constant 0 : i32
      %dma_wait3A_177 = arith.constant 0 : i32
      %dma_wait3A_178 = tpu.memref_slice %arg15[%dma_wait3A_176, %dma_wait3A_177] : memref<65x256xf32, #tpu.memory_space<vmem>> -> memref<64x256xf32, #tpu.memory_space<vmem>>
      %dma_wait3A_179 = arith.constant 0 : i32
      %dma_wait3A_180 = tpu.memref_slice %arg6[%select_n3A_9, %dma_wait3A_175, %mul3A_77, %dma_wait3A_179] : memref<8x64x256x256xf32, #tpu.memory_space<hbm>> -> memref<1x1x64x256xf32, #tpu.memory_space<hbm>>
      %dma_wait3A_181 = tpu.memref_squeeze %dma_wait3A_180 : memref<1x1x64x256xf32, #tpu.memory_space<hbm>> -> memref<64x256xf32, #tpu.memory_space<hbm>>
      %dma_wait3A_182 = arith.constant 0 : i32
      %dma_wait3A_183 = tpu.memref_slice %arg6[%select_n3A_9, %dma_wait3A_175, %mul3A_77, %dma_wait3A_182] : memref<8x64x256x256xf32, #tpu.memory_space<hbm>> -> memref<1x1x64x256xf32, #tpu.memory_space<hbm>>
      %dma_wait3A_184 = tpu.memref_squeeze %dma_wait3A_183 : memref<1x1x64x256xf32, #tpu.memory_space<hbm>> -> memref<64x256xf32, #tpu.memory_space<hbm>>
      %dma_wait3A_185 = arith.constant 0 : i32
      %dma_wait3A_186 = arith.constant 0 : i32
      %dma_wait3A_187 = tpu.memref_slice %arg15[%dma_wait3A_185, %dma_wait3A_186] : memref<65x256xf32, #tpu.memory_space<vmem>> -> memref<64x256xf32, #tpu.memory_space<vmem>>
      tpu.wait_dma2 semaphore(%arg18 : memref<!tpu.dma_semaphore, #tpu.memory_space<semaphore_mem>>) src(%dma_wait3A_187 : memref<64x256xf32, #tpu.memory_space<vmem>>) dst(%dma_wait3A_184 : memref<64x256xf32, #tpu.memory_space<hbm>>)
      %add3A_188 = arith.constant 1 : i32
      %add3A_189 = arith.addi %mul3A_146, %add3A_188 : i32
      %broadcast_in_dim3A_190 = vector.broadcast %add3A_189 : i32 to vector<16xi32>
      %parallel_loop3A_191 = arith.constant 0 : i32
      %parallel_loop3A_192 = arith.constant 16 : i32
      scf.for %parallel_loop3A_207 = %parallel_loop3A_191 to %and3A_75 step %parallel_loop3A_192  : i32 {
        %parallel_loop3A_208 = arith.index_cast %parallel_loop3A_207 : i32 to index
        %parallel_loop3A_209 = tpu.vector_load %arg12[%parallel_loop3A_208] {strides = array<i32>} : memref<8208xi32, #tpu.memory_space<vmem>>, vector<16xi32>,
        %parallel_loop3A_210 = arith.index_cast %parallel_loop3A_207 : i32 to index
        %parallel_loop3A_211 = tpu.vector_load %arg13[%parallel_loop3A_210] {strides = array<i32>} : memref<8208xi32, #tpu.memory_space<vmem>>, vector<16xi32>,
        %parallel_loop3A_212 = tpu.vector_load_idx %arg11[%broadcast_in_dim3A_190, %parallel_loop3A_211] : memref<64x500xf32, #tpu.memory_space<vmem>>[vector<16xi32>, vector<16xi32>], vector<16xf32>,
        %parallel_loop3A_213 = arith.constant 8 : i32
        %parallel_loop3A_214 = vector.broadcast %parallel_loop3A_213 : i32 to vector<16xi32>
        %parallel_loop3A_215 = arith.shrsi %parallel_loop3A_209, %parallel_loop3A_214 : vector<16xi32>
        %parallel_loop3A_216 = arith.constant 255 : i32
        %parallel_loop3A_217 = vector.broadcast %parallel_loop3A_216 : i32 to vector<16xi32>
        %parallel_loop3A_218 = arith.andi %parallel_loop3A_209, %parallel_loop3A_217 : vector<16xi32>
        tpu.vector_store_idx %arg15[%parallel_loop3A_215, %parallel_loop3A_218], %parallel_loop3A_212 : memref<65x256xf32, #tpu.memory_space<vmem>>[vector<16xi32>, vector<16xi32>], vector<16xf32>,
      } {sc.loop_unroll_factor = 8 : i64, sc.parallel_access}
      %add3A_193 = arith.constant 1 : i32
      %add3A_194 = arith.addi %mul3A_146, %add3A_193 : i32
      %dma_start3A_195 = arith.constant 0 : i32
      %dma_start3A_196 = arith.constant 0 : i32
      %dma_start3A_197 = tpu.memref_slice %arg15[%dma_start3A_195, %dma_start3A_196] : memref<65x256xf32, #tpu.memory_space<vmem>> -> memref<64x256xf32, #tpu.memory_space<vmem>>
      %dma_start3A_198 = arith.constant 0 : i32
      %dma_start3A_199 = tpu.memref_slice %arg6[%select_n3A_9, %add3A_194, %mul3A_77, %dma_start3A_198] : memref<8x64x256x256xf32, #tpu.memory_space<hbm>> -> memref<1x1x64x256xf32, #tpu.memory_space<hbm>>
      %dma_start3A_200 = tpu.memref_squeeze %dma_start3A_199 : memref<1x1x64x256xf32, #tpu.memory_space<hbm>> -> memref<64x256xf32, #tpu.memory_space<hbm>>
      %dma_start3A_201 = arith.constant 0 : i32
      %dma_start3A_202 = tpu.memref_slice %arg6[%select_n3A_9, %add3A_194, %mul3A_77, %dma_start3A_201] : memref<8x64x256x256xf32, #tpu.memory_space<hbm>> -> memref<1x1x64x256xf32, #tpu.memory_space<hbm>>
      %dma_start3A_203 = tpu.memref_squeeze %dma_start3A_202 : memref<1x1x64x256xf32, #tpu.memory_space<hbm>> -> memref<64x256xf32, #tpu.memory_space<hbm>>
      %dma_start3A_204 = arith.constant 0 : i32
      %dma_start3A_205 = arith.constant 0 : i32
      %dma_start3A_206 = tpu.memref_slice %arg15[%dma_start3A_204, %dma_start3A_205] : memref<65x256xf32, #tpu.memory_space<vmem>> -> memref<64x256xf32, #tpu.memory_space<vmem>>
      tpu.enqueue_dma source(%dma_start3A_206 : memref<64x256xf32, #tpu.memory_space<vmem>>) target(%dma_start3A_203 : memref<64x256xf32, #tpu.memory_space<hbm>>) target_semaphore(%arg18 : memref<!tpu.dma_semaphore, #tpu.memory_space<semaphore_mem>>)
    }
    %scan3A_117 = arith.constant 31 : i32
    %dma_wait3A_118 = arith.constant 0 : i32
    %dma_wait3A_119 = arith.constant 0 : i32
    %dma_wait3A_120 = arith.constant 0 : i32
    %dma_wait3A_121 = tpu.memref_slice %arg14[%dma_wait3A_119, %dma_wait3A_120] : memref<65x256xf32, #tpu.memory_space<vmem>> -> memref<64x256xf32, #tpu.memory_space<vmem>>
    %dma_wait3A_122 = arith.constant 0 : i32
    %dma_wait3A_123 = tpu.memref_slice %arg6[%select_n3A_9, %dma_wait3A_118, %mul3A_77, %dma_wait3A_122] : memref<8x64x256x256xf32, #tpu.memory_space<hbm>> -> memref<1x1x64x256xf32, #tpu.memory_space<hbm>>
    %dma_wait3A_124 = tpu.memref_squeeze %dma_wait3A_123 : memref<1x1x64x256xf32, #tpu.memory_space<hbm>> -> memref<64x256xf32, #tpu.memory_space<hbm>>
    %dma_wait3A_125 = arith.constant 0 : i32
    %dma_wait3A_126 = tpu.memref_slice %arg6[%select_n3A_9, %dma_wait3A_118, %mul3A_77, %dma_wait3A_125] : memref<8x64x256x256xf32, #tpu.memory_space<hbm>> -> memref<1x1x64x256xf32, #tpu.memory_space<hbm>>
    %dma_wait3A_127 = tpu.memref_squeeze %dma_wait3A_126 : memref<1x1x64x256xf32, #tpu.memory_space<hbm>> -> memref<64x256xf32, #tpu.memory_space<hbm>>
    %dma_wait3A_128 = arith.constant 0 : i32
    %dma_wait3A_129 = arith.constant 0 : i32
    %dma_wait3A_130 = tpu.memref_slice %arg14[%dma_wait3A_128, %dma_wait3A_129] : memref<65x256xf32, #tpu.memory_space<vmem>> -> memref<64x256xf32, #tpu.memory_space<vmem>>
    tpu.wait_dma2 semaphore(%arg17 : memref<!tpu.dma_semaphore, #tpu.memory_space<semaphore_mem>>) src(%dma_wait3A_130 : memref<64x256xf32, #tpu.memory_space<vmem>>) dst(%dma_wait3A_127 : memref<64x256xf32, #tpu.memory_space<hbm>>)
    %dma_wait3A_131 = arith.constant 0 : i32
    %dma_wait3A_132 = arith.constant 0 : i32
    %dma_wait3A_133 = arith.constant 0 : i32
    %dma_wait3A_134 = tpu.memref_slice %arg15[%dma_wait3A_132, %dma_wait3A_133] : memref<65x256xf32, #tpu.memory_space<vmem>> -> memref<64x256xf32, #tpu.memory_space<vmem>>
    %dma_wait3A_135 = arith.constant 0 : i32
    %dma_wait3A_136 = tpu.memref_slice %arg6[%select_n3A_9, %dma_wait3A_131, %mul3A_77, %dma_wait3A_135] : memref<8x64x256x256xf32, #tpu.memory_space<hbm>> -> memref<1x1x64x256xf32, #tpu.memory_space<hbm>>
    %dma_wait3A_137 = tpu.memref_squeeze %dma_wait3A_136 : memref<1x1x64x256xf32, #tpu.memory_space<hbm>> -> memref<64x256xf32, #tpu.memory_space<hbm>>
    %dma_wait3A_138 = arith.constant 0 : i32
    %dma_wait3A_139 = tpu.memref_slice %arg6[%select_n3A_9, %dma_wait3A_131, %mul3A_77, %dma_wait3A_138] : memref<8x64x256x256xf32, #tpu.memory_space<hbm>> -> memref<1x1x64x256xf32, #tpu.memory_space<hbm>>
    %dma_wait3A_140 = tpu.memref_squeeze %dma_wait3A_139 : memref<1x1x64x256xf32, #tpu.memory_space<hbm>> -> memref<64x256xf32, #tpu.memory_space<hbm>>
    %dma_wait3A_141 = arith.constant 0 : i32
    %dma_wait3A_142 = arith.constant 0 : i32
    %dma_wait3A_143 = tpu.memref_slice %arg15[%dma_wait3A_141, %dma_wait3A_142] : memref<65x256xf32, #tpu.memory_space<vmem>> -> memref<64x256xf32, #tpu.memory_space<vmem>>
    tpu.wait_dma2 semaphore(%arg18 : memref<!tpu.dma_semaphore, #tpu.memory_space<semaphore_mem>>) src(%dma_wait3A_143 : memref<64x256xf32, #tpu.memory_space<vmem>>) dst(%dma_wait3A_140 : memref<64x256xf32, #tpu.memory_space<hbm>>)
    return
  }
}

</mosaic_0001>

<sc_bundles>
// kernel: _run.3.cloned.1.call-start
scs
__scs_entry_jumppad:
0x0: {  	(pc) =	sbr.rel $0x88, $3  }
0x1: {  	(tag) =	ssettag $0x0;
	lr =	simm.s32 $0x1  }
0x2: {  	[smem:$0x3F9D] =	sst lr;
	_ =	strace $0xD0000000  }
0x3: {  	_ = 	snop  }
0x4: {  	_ = 	snop  }
0x5: {  	_ = 	snop  }
0x6: {  	_ = 	snop  }
0x7: {  	_ = 	snop  }
__scs_overlays_trampoline_lowered:
0x8: {  	[smem:$0x3FAC] =	sst s0  }
0x9: {  	[smem:$0x3FAD] =	sst s1  }
0xa: {  	[smem:$0x3FAE] =	sst s2  }
0xb: {  	[smem:$0x3FAF] =	sst s3  }
0xc: {  	[smem:$0x3FB0] =	sst s4  }
0xd: {  	[smem:$0x3FB1] =	sst s5  }
0xe: {  	[smem:$0x3FB2] =	sst s6  }
0xf: {  	[smem:$0x3FB3] =	sst s7  }
0x10: {  	[smem:$0x3FB4] =	sst s8  }
0x11: {  	[smem:$0x3FB5] =	sst s9;
	s0 =	simm.s32 @!p0 $0x0  }
0x12: {  	s1 =	sld [smem:$0x3F9B];
	s0 =	simm.s32 @p0 $0x1  }
0x13: {  	[smem:$0x3FB6] =	sst s0;
	s0 =	simm.s32 @!p1 $0x0  }
0x14: {  	s2 =	sld [smem:$0x3F9A];
	s0 =	simm.s32 @p1 $0x1  }
0x15: {  	[smem:$0x3FB7] =	sst s0;
	s0 =	simm.s32 @!p2 $0x0  }
0x16: {  	s3 =	sld [smem:$0x3FDB];
	s0 =	simm.s32 @p2 $0x1  }
0x17: {  	s4 =	simm.s32 $0x1BF5;
	[smem:$0x3FB9] =	sst s0  }
0x18: {  	s0 =	sld [smem:$0x3F9C];
	_ =	swait.ge [sflag:s4], $0x0  }
0x19: {  	s7 =	sld [smem:$0x3F9D]  }
0x1a: {  	s8 =	sadd.s32 $0xFFFFE003, lr  }
0x1b: {  	s9 =	sadd.s32 $0xFFFFFEF7, lr;
	s5 =	simm.s32 $0xFFFFFFFF;
	p2 =	slt.u32 s8, $0xFFFFF086  }
0x1c: {  	p1 =	slt.u32 s9, $0xF7A;
	s5 =	simm.s32 @!p2 $0x0  }
0x1d: {  	s5 =	simm.s32 @p1 $0x1;
	p0 =	seq.s32 s7, s2  }
0x1e: {  	s7 =	smul.u32 @!p0 $0xF7A, s2;
	p2 =	seq.s32 @!p0 s5, $0x0  }
0x1f: {  	s9 =	smul.u32 $0xF7A, s1;
	s8 =	simm.s32 @!p0 $0x1BF5;
	p2 =	por !p2, p0  }
0x20: {  	[sflag:s8] =	ssyncset.s32 @!p0 $0xFFFFF086;
	s6 =	sadd.s32 @!p0 s3, s7;
	s7 =	simm.s32 @!p0 $0x108  }
0x21: {  	s3 =	sadd.s32 s3, s9;
	s6 =	sadd.s32 @!p0 $0x88, s6;
	s7 =	simm.s32 @p2 $0x1082  }
0x22: {  	[simem:s7], [sflag:s8] =	dma.local @!p0 [hbm:s6], $0xF7A  }
0x23: {  	s9 =	sor.u32 $0xD0000000, s2;
	s6 =	simm.s32 $0x108;
	_ =	swait.ge @!p0 [sflag:s8], $0x0  }
0x24: {  	s3 =	sadd.s32 $0x88, s3;
	s6 =	simm.s32 @!p1 $0x1082;
	[sflag:s4] =	ssyncset.s32 $0xFFFFF086  }
0x25: {  	[simem:s6], [sflag:s4] =	dma.local [hbm:s3], $0xF7A  }
0x26: {  	[smem:$0x3F9D] =	sst s1;
	(tag) =	ssettag s2;
	_ =	strace s9  }
0x27: {  	s1 =	sld [smem:$0x3FAD]  }
0x28: {  	s2 =	sld [smem:$0x3FAE]  }
0x29: {  	s4 =	sld [smem:$0x3FB0]  }
0x2a: {  	p0 =	seq.s32 s5, $0x0;
	s5 =	sld [smem:$0x3FB1]  }
0x2b: {  	s6 =	sld [smem:$0x3FB2]  }
0x2c: {  	s7 =	sld [smem:$0x3FB3]  }
0x2d: {  	s3 =	simm.s32 $0x108;
	s8 =	sld [smem:$0x3FB4]  }
0x2e: {  	s3 =	simm.s32 @!p0 $0x1082;
	s9 =	sld [smem:$0x3FB5]  }
0x2f: {  	lr =	sadd.s32 s0, s3;
	s0 =	sld [smem:$0x3FAC]  }
0x30: {  	s3 =	sld [smem:$0x3FAF]  }
0x31: {  	[smem:$0x3FB8] =	sst s10  }
0x32: {  	s10 =	sld [smem:$0x3FB6];
	_ =	sdelay $0x3  }
0x33: {  	p0 =	seq.s32 s10, $0x1;
	s10 =	sld [smem:$0x3FB8];
	_ =	sdelay $0x3  }
0x34: {  	[smem:$0x3FB8] =	sst s10  }
0x35: {  	s10 =	sld [smem:$0x3FB7];
	_ =	sdelay $0x3  }
0x36: {  	p1 =	seq.s32 s10, $0x1;
	s10 =	sld [smem:$0x3FB8];
	_ =	sdelay $0x3  }
0x37: {  	[smem:$0x3FB8] =	sst s10  }
0x38: {  	s10 =	sld [smem:$0x3FB9]  }
0x39: {  	_ = 	snop;
	(pc) =	sbr.ind lr, $3  }
0x3a: {  	_ = 	snop  }
0x3b: {  	_ = 	snop  }
0x3c: {  	p2 =	seq.s32 s10, $0x1;
	s10 =	sld [smem:$0x3FB8]  }
0x3d: {  	_ =	shalt  }
0x3e: {  	_ =	shalt  }
0x3f: {  	_ =	shalt  }
0x40: {  	_ =	shalt  }
0x41: {  	_ =	shalt  }
0x42: {  	_ =	shalt  }
0x43: {  	_ =	shalt  }
0x44: {  	_ =	shalt  }
0x45: {  	_ =	shalt  }
0x46: {  	_ =	shalt  }
0x47: {  	_ =	shalt  }
0x48: {  	_ =	shalt  }
0x49: {  	_ =	shalt  }
0x4a: {  	_ =	shalt  }
0x4b: {  	_ =	shalt  }
0x4c: {  	_ =	shalt  }
0x4d: {  	_ =	shalt  }
0x4e: {  	_ =	shalt  }
0x4f: {  	_ =	shalt  }
0x50: {  	_ =	shalt  }
0x51: {  	_ =	shalt  }
0x52: {  	_ =	shalt  }
0x53: {  	_ =	shalt  }
0x54: {  	_ =	shalt  }
0x55: {  	_ =	shalt  }
0x56: {  	_ =	shalt  }
0x57: {  	_ =	shalt  }
0x58: {  	_ =	shalt  }
0x59: {  	_ =	shalt  }
0x5a: {  	_ =	shalt  }
0x5b: {  	_ =	shalt  }
0x5c: {  	_ =	shalt  }
0x5d: {  	_ =	shalt  }
0x5e: {  	_ =	shalt  }
0x5f: {  	_ =	shalt  }
0x60: {  	_ =	shalt  }
0x61: {  	_ =	shalt  }
0x62: {  	_ =	shalt  }
0x63: {  	_ =	shalt  }
0x64: {  	_ =	shalt  }
0x65: {  	_ =	shalt  }
0x66: {  	_ =	shalt  }
0x67: {  	_ =	shalt  }
0x68: {  	_ =	shalt  }
0x69: {  	_ =	shalt  }
0x6a: {  	_ =	shalt  }
0x6b: {  	_ =	shalt  }
0x6c: {  	_ =	shalt  }
0x6d: {  	_ =	shalt  }
0x6e: {  	_ =	shalt  }
0x6f: {  	_ =	shalt  }
0x70: {  	_ =	shalt  }
0x71: {  	_ =	shalt  }
0x72: {  	_ =	shalt  }
0x73: {  	_ =	shalt  }
0x74: {  	_ =	shalt  }
0x75: {  	_ =	shalt  }
0x76: {  	_ =	shalt  }
0x77: {  	_ =	shalt  }
0x78: {  	_ =	shalt  }
0x79: {  	_ =	shalt  }
0x7a: {  	_ =	shalt  }
0x7b: {  	_ =	shalt  }
0x7c: {  	_ =	shalt  }
0x7d: {  	_ =	shalt  }
0x7e: {  	_ =	shalt  }
0x7f: {  	_ =	shalt  }
0x80: {  	_ =	shalt  }
0x81: {  	_ =	shalt  }
0x82: {  	_ =	shalt  }
0x83: {  	_ =	shalt  }
0x84: {  	_ =	shalt  }
0x85: {  	_ =	shalt  }
0x86: {  	_ =	shalt  }
0x87: {  	_ =	shalt  }
.Lfunc_end0:
.L_simem_size_0:
called_computation_lowered:
.L_overlay_start_0:
0x88: {  	s2 =	sld [smem:$0x3FD9]  }
0x89: {  	s3 =	sld [smem:$0x3FFE];
	_ =	sdelay $0x1  }
0x8a: {  	s1 =	srdreg.scid  }
0x8b: {  	s0 =	sand.u32 $0x1, s1  }
0x8c: {  	s18 =	sshll.u32 s0, $0xA;
	s2 =	sadd.s32 s3, s2  }
0x8d: {  	s2 =	sadd.s32 s2, s18  }
0x8e: {  	[smem:$0x3FC4] =	sst s2  }
0x8f: {  	_ = 	snop  }
0x90: {  	s2 =	sld [smem:$0x3FC9]  }
0x91: {  	s19 =	sld [smem:$0x3FC8]  }
0x92: {  	s4 =	sld [smem:$0x3FC7]  }
0x93: {  	s5 =	sld [smem:$0x3FC6]  }
0x94: {  	s6 =	sld [smem:$0x3FD0];
	(tm) =	ssettm $0x1  }
0x95: {  	s7 =	sld [smem:$0x3FFB];
	_ =	sdelay $0x3  }
0x96: {  	_ =	strace s7  }
0x97: {  	s7 =	sld [smem:$0x3FFC];
	_ =	sdelay $0x3  }
0x98: {  	_ =	strace s7  }
0x99: {  	s7 =	sld [smem:$0x3FFD];
	_ =	sdelay $0x3  }
0x9a: {  	_ =	strace s7  }
0x9b: {  	_ =	strace $0x8FFFFFFF  }
0x9c: {  	s20 =	sld [smem:$0x3FDB];
	_ =	sdelay $0x1  }
0x9d: {  	s8 =	simm.s32 $_scs_section_size  }
0x9e: {  	s9 =	simm.s32 $_size__tile_overlayer_lowered;
	s10 =	simm.s32 $_tile_overlayer_lowered  }
0x9f: {  	s23 =	simm.s32 $0x1BFF;
	s22 =	sshll.u32 s10, $0x1;
	s7 =	sadd.s32 s8, s20  }
0xa0: {  	s11 =	simm.s32 $0x0;
	s21 =	sshll.u32 s9, $0x1;
	s9 =	sadd.s32 s22, s7  }
0xa1: {  	[timem:s11], [sflag:s23] =	dma.local [hbm:s9], s21  }
0xa2: {  	_ =	swait.ge [sflag:s23], s21  }
0xa3: {  	s8 =	ssub.s32 $0x0, s21;
	[sflag:s23] =	ssyncset.done $0x0  }
0xa4: {  	[sflag:s23] =	ssyncadd.s32 s8;
	_ =	sdelay $0x1  }
0xa5: {  	s24 =	simm.s32 $0x1B8B  }
0xa6: {  	_ =	swait.ge [sflag:s24], $0x1  }
0xa7: {  	[sflag:s24] =	ssyncset.done $0x0  }
0xa8: {  	s25 =	simm.s32 $0x1B8E;
	[sflag:s24] =	ssyncadd.s32 $0xFFFFFFFF  }
0xa9: {  	s26 =	simm.s32 $execute0_lowered;
	[smem:$0x3FD2] =	sst s25  }
0xaa: {  	s8 =	sshll.u32 s26, $0x1;
	_ =	strace $0x80000046;
	[dreg:$0x1] =	wrdreg $0xFFFFFFFF  }
0xab: {  	s28 =	simm.s32 $_size_execute0_lowered;
	s7 =	sadd.s32 s7, s8;
	[dreg:$0x0] =	wrdreg $0x0  }
0xac: {  	s8 =	sshll.u32 s28, $0x1;
	[dreg:$0x2] =	wrdreg s7  }
0xad: {  	[dreg:$0x3] =	wrdreg s8  }
0xae: {  	[dreg:$0x4] =	wrdreg $0xC0  }
0xaf: {  	_ =	task [dreg:s11], $0x5FFFF  }
0xb0: {  	[dreg:$0x1] =	wrdreg $0xFFFFFFFF  }
0xb1: {  	[dreg:$0x0] =	wrdreg $0x60  }
0xb2: {  	[dreg:$0x2] =	wrdreg s2  }
0xb3: {  	[dreg:$0x3] =	wrdreg s19  }
0xb4: {  	[dreg:$0x4] =	wrdreg s4  }
0xb5: {  	[dreg:$0x5] =	wrdreg s5  }
0xb6: {  	[dreg:$0x6] =	wrdreg s6  }
0xb7: {  	[dreg:$0x7] =	wrdreg $0x9  }
0xb8: {  	_ =	task.clear_ibuf [dreg:s11], $0x8FFFF;
	_ =	strace $0x90000046  }
0xb9: {  	s29 =	simm.s32 $0x9;
	_ =	strace $0x80000048  }
0xba: {  	_ =	swait.ge [sflag:s29], $0x1  }
0xbb: {  	[sflag:s29] =	ssyncadd.s32 $0xFFFFFFFF  }
0xbc: {  	_ =	strace $0x90000048  }
0xbd: {  	_ =	sfence  }
0xbe: {  	s30 =	sld [smem:$0x0];
	_ =	sdelay $0x2  }
0xbf: {  	s31 =	sshll.u32 s1, $0xD;
	s1 =	sshrl.u32 s1, $0x2  }
0xc0: {  	s3 =	sand.u32 $0x4000, s31;
	s1 =	sadd.s32 s1, s30  }
0xc1: {  	s0 =	sor.u32 s3, s0;
	s1 =	sshll.u32 s1, $0x11  }
0xc2: {  	s0 =	sor.u32 s1, s0  }
0xc3: {  	s0 =	sadd.s32 $0x8F2B, s0  }
0xc4: {  	[sflag:s0] =	ssyncadd.remote.s32 $0x1  }
0xc5: {  	_ =	sfence.sel $0xFFFF  }
0xc6: {  	[dreg:$0x0] =	wrdreg $0xFFFFFFFF;
	(pc) =	sbr.abs _section_cstart, $3  }
0xc7: {  	[dreg:$0x1] =	wrdreg $0xFFFFFFFF  }
0xc8: {  	_ =	task.clear_ibuf [dreg:s11], $0x2FFFF;
	_ =	strace $0x9FFFFFFF  }
0xc9: {  	(tm) =	ssettm $0x7FFFFFFF  }
tec
execute0_lowered:
.L_overlay_start_1:
0x0: {  	(tag) =	ssettag $0x1  }
0x1: {  	s0 =	rddreg [dreg:$0x0]  }
0x2: {  	s7 =	rddreg [dreg:$0x1]  }
0x3: {  	s8 =	rddreg [dreg:$0x2]  }
0x4: {  	s2 =	rddreg [dreg:$0x3]  }
0x5: {  	s3 =	rddreg [dreg:$0x4];
	s1 =	stileid.u32;
	s4 =	simm.s32 $0x0  }
0x6: {  	s5 =	srdreg.scid;
	s13 =	simm.s32 $0x4000;
	s14 =	simm.s32 $0xA080  }
0x7: {  	s15 =	simm.s32 $0x1;
	s16 =	simm.s32 $0x6000;
	s17 =	simm.s32 $0x16180  }
0x8: {  	s18 =	simm.s32 $0x1A980;
	s19 =	simm.s32 $0x2;
	s20 =	simm.s32 $0x3  }
0x9: {  	v0 =	vimm.s32 $0xFEDCBA9;
	v1 =	vimm.s32 $0x87654321;
	s21 =	simm.s32 $0x0;
	s6 =	sshll.u32 s1, $0x1;
	[smem:$0x7FF] =	sst s4  }
0xa: {  	s5 =	sand.u32 $0x1, s5;
	s9 =	sshll.u32 s1, $0xC;
	v0 =	vunpack.c.l.s4.s8 v0;
	v1 =	vunpack.c.l.s4.s8 v1;
	s6 =	sand.u32 $0x6, s6  }
0xb: {  	_ =	strace $0x80000047;
	s10 =	ssub.s32 $0x2, s5;
	s6 =	sor.u32 s5, s6  }
.Ltmp0:
0xc: {  	s9 =	sand.u32 $0xC000, s9;
	v3 =	vunpack.c.0.s8.s32 v0;
	v4 =	vunpack.c.0.s8.s32 v1;
	s30 =	sshll.u32 s6, $0x16;
	(pc) =	sbr.rel .LBB2_1-.Ltmp0, $4  }
0xd: {  	vm0 =	vcmask $0x3F3C;
	s11 =	sshrl.u32 s10, $0x1;
	v2 =	vmov s9;
	s12 =	sshll.u32 s6, $0xA;
	s5 =	sor.u32 s9, s30  }
0xe: {  	v6 =	vimm.s32 $0x4000;
	s11 =	ssub.s32 s10, s11;
	v0 =	vsub.s32 $0x0, v2;
	s6 =	sadd.s32 s0, s12;
	v5 =	vcombine.low v4, v3;
	s31 =	sshrl.u32 s5, $0x3  }
0xf: {  	v1 =	vlaneseq.u32;
	v2 =	vimm.s32 $0x0;
	s7 =	sadd.s32 s7, s12;
	s8 =	sadd.s32 s8, s12;
	v0 =	vbroadcast v0, $0x0;
	s9 =	sadd.s32 s3, s31  }
0x10: {  	s11 =	smax.u32 s11, $0x1;
	s12 =	simm.s32 $0x2000;
	v3 =	vimm.f32 $0.0e+00;
	v4 =	vor.u32 $0x80000000, v1;
	v5 =	vand.u32 $0xF, v5;
	s10 =	sadd.s32 $0x2000, s9  }
.LBB2_43:
0x11: {  	s21 =	sadd.s32 $0x1, s21  }
0x12: {  	_ =	swait.ge [sflag:s19], $0x4000;
	p0 =	sne.s32 s21, s11  }
.Ltmp1:
0x13: {  	[sflag:s19] =	ssyncset.done $0x0;
	(pc) =	sbr.rel @!p0 .LBB2_44-.Ltmp1, $4  }
0x14: {  	[sflag:s19] =	ssyncadd.s32 $0xFFFFC000  }
0x15: {  	_ =	swait.ge [sflag:s20], $0x4000  }
0x16: {  	[sflag:s20] =	ssyncset.done $0x0  }
0x17: {  	[sflag:s20] =	ssyncadd.s32 $0xFFFFC000  }
.LBB2_1:
0x18: {  	[tilespmem:s4], [sflag:$0x1] =	stream.linear.gather [hbm4b:s6+s4], $0x2000, $0x38;
	[tilespmem:$0x1F180] =	vst v63  }
0x19: {  	_ = 	snop  }
0x1a: {  	[tilespmem:s12], [sflag:$0x1] =	stream.linear.gather [hbm4b:s7+s4], $0x2000, $0x38;
	[tilespmem:$0x1F180] =	vst v63  }
0x1b: {  	_ = 	snop  }
0x1c: {  	[tilespmem:s13], [sflag:$0x1] =	stream.linear.gather [hbm4b:s8+s4], $0x2000, $0x38;
	[tilespmem:$0x1F180] =	vst v63  }
0x1d: {  	s0 =	simm.s32 $0x6040  }
0x1e: {  	[tilespmem:s14], [sflag:$0x1] =	stream.linear.gather [hbm4b:s2+s4], $0x8000, $0x38;
	[tilespmem:$0x1F180] =	vst v63  }
0x1f: {  	[tilespmem:s0+$0xFFFFFFC0] =	vst v2  }
0x20: {  	[tilespmem:s0+$0x30] =	vst v2  }
0x21: {  	[tilespmem:s0+$0x20] =	vst v2  }
0x22: {  	[tilespmem:s0+$0x10] =	vst v2  }
0x23: {  	[tilespmem:s0+$0x0] =	vst v2  }
0x24: {  	[tilespmem:s0+$0xFFFFFFF0] =	vst v2  }
0x25: {  	s22 =	simm.s32 $0x0;
	s23 =	simm.s32 $0xA000;
	[tilespmem:s0+$0xFFFFFFE0] =	vst v2  }
.LBB2_2:
0x26: {  	s22 =	sadd.s32 $0x80, s22;
	[tilespmem:s0+$0xFFFFFFD0] =	vst v2;
	s0 =	sadd.s32 $0x80, s0;
	s24 =	simm.s32 $0x3FF0  }
0x27: {  	[tilespmem:s0+$0xFFFFFFC0] =	vst v2;
	p0 =	slt.u32 s22, $0x3F80  }
0x28: {  	[tilespmem:s0+$0x30] =	vst v2  }
.Ltmp2:
0x29: {  	[tilespmem:s0+$0x20] =	vst v2;
	(pc) =	sbr.rel @p0 .LBB2_2-.Ltmp2, $4  }
0x2a: {  	[tilespmem:s0+$0x10] =	vst v2  }
0x2b: {  	[tilespmem:s0+$0x0] =	vst v2  }
0x2c: {  	[tilespmem:s0+$0xFFFFFFF0] =	vst v2  }
0x2d: {  	[tilespmem:s0+$0xFFFFFFE0] =	vst v2  }
0x2e: {  	[tilespmem:s0+$0xFFFFFFD0] =	vst v2  }
.LBB2_4:
0x2f: {  	s24 =	sadd.s32 $0x10, s24  }
0x30: {  	p0 =	slt.u32 s24, $0x4010  }
.Ltmp3:
0x31: {  	_ = 	snop;
	(pc) =	sbr.rel @p0 .LBB2_4-.Ltmp3, $2  }
0x32: {  	_ =	sdelay $0x2  }
0x33: {  	[tilespmem:s23+$0x0] =	vst v2;
	s23 =	sadd.s32 $0x10, s23;
	s22 =	simm.s32 $0x0  }
.LBB2_5:
0x34: {  	s0 =	sshll.u32 s22, $0x8;
	s23 =	sshll.u32 s22, $0x7  }
0x35: {  	p0 =	por $0x1, $0x1;
	s0 =	sand.u32 $0x3800, s0;
	s23 =	sand.u32 $0x300, s23  }
0x36: {  	p1 =	por $0x1, $0x1;
	s24 =	simm.s32 $0x0;
	s0 =	sor.u32 s0, s23  }
.LBB2_6:
0x37: {  	s23 =	sor.u32 s0, s24  }
0x38: {  	[tilespmem:s23+$0x16180] =	vst v3  }
0x39: {  	[tilespmem:s23+$0x1A980] =	vst v3  }
0x3a: {  	[tilespmem:s23+$0x16190] =	vst v3  }
0x3b: {  	[tilespmem:s23+$0x1A990] =	vst v3  }
0x3c: {  	[tilespmem:s23+$0x161A0] =	vst v3  }
0x3d: {  	[tilespmem:s23+$0x1A9A0] =	vst v3  }
0x3e: {  	[tilespmem:s23+$0x161B0] =	vst v3  }
0x3f: {  	[tilespmem:s23+$0x1A9B0] =	vst v3  }
0x40: {  	[tilespmem:s23+$0x161C0] =	vst v3  }
0x41: {  	[tilespmem:s23+$0x1A9C0] =	vst v3  }
0x42: {  	p2 =	por p1, p1;
	[tilespmem:s23+$0x161D0] =	vst v3  }
.Ltmp4:
0x43: {  	[tilespmem:s23+$0x1A9D0] =	vst v3;
	(pc) =	sbr.rel @p2 .LBB2_6-.Ltmp4, $4  }
0x44: {  	[tilespmem:s23+$0x161E0] =	vst v3  }
0x45: {  	[tilespmem:s23+$0x1A9E0] =	vst v3  }
0x46: {  	[tilespmem:s23+$0x161F0] =	vst v3  }
0x47: {  	s24 =	simm.s32 $0x400;
	p1 =	por $0x0, $0x0;
	[tilespmem:s23+$0x1A9F0] =	vst v3;
	s23 =	simm.s32 $0x0  }
.LBB2_7:
0x48: {  	s23 =	sor.u32 s0, s23  }
0x49: {  	[tilespmem:s23+$0x16200] =	vst v3  }
0x4a: {  	[tilespmem:s23+$0x1AA00] =	vst v3  }
0x4b: {  	[tilespmem:s23+$0x16210] =	vst v3  }
0x4c: {  	[tilespmem:s23+$0x1AA10] =	vst v3  }
0x4d: {  	[tilespmem:s23+$0x16220] =	vst v3  }
0x4e: {  	[tilespmem:s23+$0x1AA20] =	vst v3  }
0x4f: {  	[tilespmem:s23+$0x16230] =	vst v3  }
0x50: {  	[tilespmem:s23+$0x1AA30] =	vst v3  }
0x51: {  	[tilespmem:s23+$0x16240] =	vst v3  }
0x52: {  	[tilespmem:s23+$0x1AA40] =	vst v3  }
0x53: {  	p1 =	por p0, p0;
	[tilespmem:s23+$0x16250] =	vst v3  }
.Ltmp5:
0x54: {  	[tilespmem:s23+$0x1AA50] =	vst v3;
	(pc) =	sbr.rel @p1 .LBB2_7-.Ltmp5, $4  }
0x55: {  	[tilespmem:s23+$0x16260] =	vst v3  }
0x56: {  	[tilespmem:s23+$0x1AA60] =	vst v3  }
0x57: {  	[tilespmem:s23+$0x16270] =	vst v3  }
0x58: {  	p0 =	por $0x0, $0x0;
	[tilespmem:s23+$0x1AA70] =	vst v3;
	s23 =	simm.s32 $0x400  }
0x59: {  	p0 =	slt.u32 s22, $0x3E  }
.Ltmp6:
0x5a: {  	_ = 	snop;
	(pc) =	sbr.rel @p0 .LBB2_5-.Ltmp6, $3  }
0x5b: {  	_ =	sdelay $0x1  }
0x5c: {  	s0 =	sadd.s32 $0x2, s22  }
0x5d: {  	s22 =	smov.u32 s0  }
0x5e: {  	_ =	swait.ge [sflag:s15], $0x2000  }
0x5f: {  	[sflag:s15] =	ssyncset.done $0x0  }
0x60: {  	[sflag:s15] =	ssyncadd.s32 $0xFFFFE000  }
0x61: {  	_ =	swait.ge [sflag:s15], $0x2000  }
0x62: {  	[sflag:s15] =	ssyncset.done $0x0  }
0x63: {  	[sflag:s15] =	ssyncadd.s32 $0xFFFFE000  }
0x64: {  	_ =	swait.ge [sflag:s15], $0x2000  }
0x65: {  	[sflag:s15] =	ssyncset.done $0x0  }
0x66: {  	[sflag:s15] =	ssyncadd.s32 $0xFFFFE000  }
0x67: {  	_ =	swait.ge [sflag:s15], $0x8000  }
0x68: {  	[sflag:s15] =	ssyncset.done $0x0  }
0x69: {  	s22 =	simm.s32 $0x0;
	s0 =	simm.s32 $0x0;
	[sflag:s15] =	ssyncadd.s32 $0xFFFF8000  }
.LBB2_10:
0x6a: {  	s23 =	sshra.s32 s0, $0x2  }
0x6b: {  	v7 =	vld [tilespmem:s23+$0x0]  }
0x6c: {  	v8 =	vld [tilespmem:s23+$0x2000]  }
0x6d: {  	v9 =	vld [tilespmem:s23+$0x10]  }
0x6e: {  	v10 =	vld [tilespmem:s23+$0x2010];
	_ =	sdelay $0x3  }
0x6f: {  	v11 =	vld [tilespmem:s23+$0x4000];
	v7 =	vshll.u32 v7, $0x8;
	v8 =	vadd.s32 v0, v8  }
0x70: {  	v9 =	vshll.u32 v9, $0x8;
	v10 =	vadd.s32 v0, v10;
	v7 =	vadd.s32 v7, v8;
	v8 =	vld [tilespmem:s23+$0x4010]  }
0x71: {  	v9 =	vadd.s32 v9, v10;
	v7 =	vmin.u32 v7, $0x4000  }
0x72: {  	v9 =	vmin.u32 v9, $0x4000;
	v7 =	vshll.u32 v7, $0x4  }
0x73: {  	v9 =	vshll.u32 v9, $0x4;
	v7 =	vor.u32 v4, v7  }
0x74: {  	(xrf1) =	vsort.ascd.msk.u32 $0xffff, v7, v11;
	v7 =	vor.u32 v4, v9  }
0x75: {  	(xrf1) =	vsort.ascd.msk.u32 $0xffff, v7, v8;
	_ =	sdelay $0xc  }
0x76: {  	v7, v8, _ =	vpop (xrf1)  }
0x77: {  	v7 =	vshra.s32 v7, $0x4;
	v62, v61, _ =	vpop (xrf1)  }
0x78: {  	v7 =	vxor.u32 $0xF8000000, v7;
	v9 =	vshra.s32 v62, $0x4  }
0x79: {  	v63 =	vperm.xlane v7, v5;
	v9 =	vxor.u32 $0xF8000000, v9  }
0x7a: {  	v12 =	vperm.xlane v9, v5  }
0x7b: {  	vm1 =	vne.s32 v7, v63  }
0x7c: {  	vm1 =	vmor vm1, vm0;
	vm2 =	vne.s32 v9, v12  }
0x7d: {  	vm2 =	vmor vm2, vm0  }
0x7e: {  	p0 =	sne.s32 s0, $0x7F80  }
.Ltmp7:
0x7f: {  	_ = 	snop;
	(pc) =	sbr.rel @p0 .LBB2_10-.Ltmp7, $3  }
0x80: {  	_ =	sdelay $0x1  }
0x81: {  	[tilespmem:v7+s16+$0x0] =	vst.idx.msk vm1, v8  }
0x82: {  	s0 =	sadd.s32 $0x80, s0;
	[tilespmem:v9+s16+$0x0] =	vst.idx.msk vm2, v61  }
0x83: {  	s0 =	simm.s32 $0x6020  }
0x84: {  	v18 =	vld [tilespmem:s0+$0xFFFFFFE0]  }
0x85: {  	v12 =	vld [tilespmem:s0+$0xFFFFFFF0]  }
0x86: {  	v13 =	vld [tilespmem:s0+$0x0]  }
0x87: {  	v15 =	vld [tilespmem:s0+$0x10];
	_ =	sdelay $0x1  }
0x88: {  	vm2 =	vne.s32 v18, $0x0  }
0x89: {  	vm1 =	vne.s32 v12, $0x0;
	v7 =	vsel vm2, $0x1, v2  }
0x8a: {  	vm3 =	vne.s32 v13, $0x0;
	v8 =	vsel vm1, $0x1, v2;
	(xrf0) =	vadd.scan.msk.s32 $0xffff, v7  }
0x8b: {  	vm4 =	vne.s32 v15, $0x0;
	v7 =	vsel vm3, $0x1, v2;
	(xrf0) =	vadd.scan.msk.s32 $0xffff, v8  }
0x8c: {  	v8 =	vsel vm4, $0x1, v2;
	(xrf0) =	vadd.scan.msk.s32 $0xffff, v7  }
0x8d: {  	s23 =	simm.s32 $0x6060;
	(xrf0) =	vadd.scan.msk.s32 $0xffff, v8  }
0x8e: {  	v16 =	vld [tilespmem:s23+$0xFFFFFFE0]  }
0x8f: {  	v7 =	vld [tilespmem:s23+$0xFFFFFFF0]  }
0x90: {  	v8 =	vld [tilespmem:s23+$0x0];
	v9, _, _ =	vpop (xrf0)  }
0x91: {  	v11 =	vld [tilespmem:s23+$0x10];
	(v2sf) =	vpush v9, $0xF;
	v9, _, _ =	vpop (xrf0)  }
0x92: {  	(v2sf) =	vpush v9, $0xF;
	v9, _, _ =	vpop (xrf0)  }
0x93: {  	vm5 =	vne.s32 v16, $0x0;
	(v2sf) =	vpush v9, $0xF;
	v9, _, _ =	vpop (xrf0)  }
0x94: {  	v10 =	vsel vm5, $0x1, v2;
	vm7 =	vne.s32 v7, $0x0;
	(v2sf) =	vpush v9, $0xF  }
0x95: {  	(xrf0) =	vadd.scan.msk.s32 $0xffff, v10;
	vm8 =	vne.s32 v8, $0x0;
	v9 =	vsel vm7, $0x1, v2  }
0x96: {  	vm9 =	vne.s32 v11, $0x0;
	v10 =	vsel vm8, $0x1, v2;
	(xrf0) =	vadd.scan.msk.s32 $0xffff, v9  }
0x97: {  	v9 =	vsel vm9, $0x1, v2;
	(xrf0) =	vadd.scan.msk.s32 $0xffff, v10  }
0x98: {  	s24 =	simm.s32 $0x60A0;
	v20 =	vor.u32 s22, v1;
	(xrf0) =	vadd.scan.msk.s32 $0xffff, v9  }
0x99: {  	v14 =	vld [tilespmem:s24+$0xFFFFFFE0];
	vm2 =	vmmov vm2;
	vm1 =	vmmov vm1;
	vm11 =	vmmov vm4  }
0x9a: {  	vm6 =	vmmov vm5;
	vm3 =	vmmov vm3;
	vm12 =	vmmov vm2;
	v10 =	vld [tilespmem:s24+$0xFFFFFFF0]  }
0x9b: {  	vm5 =	vmmov vm1;
	vm2 =	vmmov vm11;
	vm1 =	vmmov vm9;
	v19, _, _ =	vpop (xrf0);
	v9 =	vld [tilespmem:s24+$0x0]  }
0x9c: {  	v17 =	vld [tilespmem:s24+$0x10];
	vm3 =	vmmov vm3;
	vm5 =	vmmov vm5;
	(v2sf) =	vpush v19, $0xF;
	v19, _, _ =	vpop (xrf0)  }
0x9d: {  	vm3 =	vmmov vm3;
	vm4 =	vmmov vm7;
	(v2sf) =	vpush v19, $0xF;
	v19, _, _ =	vpop (xrf0)  }
0x9e: {  	[tilespmem:s22+$0x12080] =	vst.msk vm12, v20;
	vm10 =	vmmov vm8;
	vm9 =	vne.s32 v14, $0x0;
	(v2sf) =	vpush v19, $0xF;
	v19, _, _ =	vpop (xrf0)  }
0x9f: {  	s25 =	simm.s32 $0x10;
	[tilespmem:s22+$0x14100] =	vst.msk vm12, v18;
	v18 =	vsel vm9, $0x1, v2;
	vm11 =	vne.s32 v10, $0x0;
	(v2sf) =	vpush v19, $0xF  }
0xa0: {  	s31 =	simm.s32 $0x20;
	s29 =	simm.s32 $0x100;
	vm8 =	vmmov vm6;
	vm7 =	vne.s32 v9, $0x0;
	(xrf0) =	vadd.scan.msk.s32 $0xffff, v18;
	v19 =	vsel vm11, $0x1, v2;
	s23 =	spop (v2sf)  }
0xa1: {  	s22 =	simm.s32 $0x80;
	vm6 =	vne.s32 v17, $0x0;
	v18 =	vsel vm7, $0x1, v2;
	(xrf0) =	vadd.scan.msk.s32 $0xffff, v19;
	v19 =	vor.u32 s25, v1;
	s26 =	sadd.s32 $0x0, s23;
	s25 =	spop (v2sf)  }
0xa2: {  	v20 =	vsel vm6, $0x1, v2;
	(xrf0) =	vadd.scan.msk.s32 $0xffff, v18;
	v18 =	vor.u32 s31, v1;
	s23 =	simm.s32 $0x30;
	[tilespmem:s26+$0x12080] =	vst.msk vm5, v19;
	s30 =	sadd.s32 s26, s25;
	s31 =	spop (v2sf)  }
0xa3: {  	vm13 =	vmmov vm4;
	(xrf0) =	vadd.scan.msk.s32 $0xffff, v20;
	s25 =	simm.s32 $0x60E0;
	v19 =	vor.u32 s23, v1;
	[tilespmem:s30+$0x12080] =	vst.msk vm3, v18;
	s0 =	sadd.s32 s30, s31;
	s28 =	spop (v2sf)  }
0xa4: {  	vm14 =	vmmov vm10;
	vm9 =	vmmov vm9;
	s24 =	simm.s32 $0x40;
	vm4 =	vmmov vm11;
	s23 =	simm.s32 $0xC0;
	v18 =	vld [tilespmem:s25+$0xFFFFFFE0];
	[tilespmem:s0+$0x12080] =	vst.msk vm2, v19;
	s28 =	sadd.s32 s0, s28  }
.LBB2_12:
0xa5: {  	p0 =	slt.u32 s29, $0x3FC0;
	v19 =	vld [tilespmem:s25+$0xFFFFFFF0];
	[tilespmem:s0+$0x14100] =	vst.msk vm2, v15;
	v15 =	vmovc v11;
	v11 =	vmovc v17;
	vm10 =	vmmov vm7;
	vm2 =	vmmov vm1;
	vm1 =	vmmov vm6;
	s31 =	smov.u32 s22;
	s22 =	smov.u32 s23  }
0xa6: {  	s23 =	smov.u32 s29;
	v20, _, _ =	vpop (xrf0);
	[tilespmem:s30+$0x14100] =	vst.msk vm3, v13;
	v13 =	vmov v8;
	v8 =	vmov v9;
	v9 =	vld [tilespmem:s25+$0x0];
	vm3 =	vmmov vm14  }
0xa7: {  	v21 =	vor.u32 s24, v1;
	v17 =	vld [tilespmem:s25+$0x10];
	(v2sf) =	vpush v20, $0xF;
	v20, _, _ =	vpop (xrf0);
	[tilespmem:s26+$0x14100] =	vst.msk vm5, v12;
	v12 =	vmov v7  }
0xa8: {  	v7 =	vmov v10;
	vm5 =	vmmov vm13;
	(v2sf) =	vpush v20, $0xF;
	v20, _, _ =	vpop (xrf0);
	[tilespmem:s28+$0x12080] =	vst.msk vm8, v21  }
0xa9: {  	vm11 =	vne.s32 v18, $0x0;
	(v2sf) =	vpush v20, $0xF;
	v10, _, _ =	vpop (xrf0);
	[tilespmem:s28+$0x14100] =	vst.msk vm8, v16;
	v16 =	vmov v14  }
0xaa: {  	v14 =	vmovc v18;
	v20 =	vsel vm11, $0x1, v2;
	vm12 =	vne.s32 v19, $0x0;
	(v2sf) =	vpush v10, $0xF;
	v10 =	vmovc v19  }
.Ltmp8:
0xab: {  	s0 =	sadd.s32 $0x10, s24;
	vm8 =	vmmov vm9;
	v18 =	vsel vm12, $0x1, v2;
	vm7 =	vne.s32 v9, $0x0;
	(xrf0) =	vadd.scan.msk.s32 $0xffff, v20;
	s26 =	spop (v2sf);
	(pc) =	sbr.rel @p0 .LBB2_12-.Ltmp8, $4  }
0xac: {  	v19 =	vsel vm7, $0x1, v2;
	vm6 =	vne.s32 v17, $0x0;
	(xrf0) =	vadd.scan.msk.s32 $0xffff, v18;
	s26 =	sadd.s32 s28, s26;
	v18 =	vor.u32 s0, v1;
	s0 =	sadd.s32 $0x20, s24;
	s28 =	spop (v2sf)  }
0xad: {  	s24 =	sadd.s32 $0x30, s24;
	v20 =	vsel vm6, $0x1, v2;
	(xrf0) =	vadd.scan.msk.s32 $0xffff, v19;
	[tilespmem:s26+$0x12080] =	vst.msk vm5, v18;
	s30 =	sadd.s32 s26, s28;
	v18 =	vor.u32 s0, v1;
	s0 =	spop (v2sf)  }
0xae: {  	s25 =	sadd.s32 $0x40, s25;
	vm9 =	vmmov vm11;
	v19 =	vor.u32 s24, v1;
	(xrf0) =	vadd.scan.msk.s32 $0xffff, v20;
	[tilespmem:s30+$0x12080] =	vst.msk vm3, v18;
	s0 =	sadd.s32 s30, s0;
	s24 =	spop (v2sf)  }
0xaf: {  	s29 =	sadd.s32 $0x40, s29;
	vm14 =	vmmov vm10;
	vm13 =	vmmov vm4;
	vm4 =	vmmov vm12;
	v18 =	vld [tilespmem:s25+$0xFFFFFFE0];
	[tilespmem:s0+$0x12080] =	vst.msk vm2, v19;
	s28 =	sadd.s32 s0, s24;
	s24 =	smov.u32 s31  }
0xb0: {  	v19 =	vld [tilespmem:s25+$0xFFFFFFF0]  }
0xb1: {  	v20 =	vld [tilespmem:s25+$0x0]  }
0xb2: {  	v22 =	vld [tilespmem:s25+$0x10];
	_ =	sdelay $0x1  }
0xb3: {  	vm10 =	vne.s32 v18, $0x0  }
0xb4: {  	[tilespmem:s0+$0x14100] =	vst.msk vm2, v15;
	v21, _, _ =	vpop (xrf0);
	v23 =	vsel vm10, $0x1, v2;
	vm11 =	vne.s32 v19, $0x0  }
0xb5: {  	(v2sf) =	vpush v21, $0xF;
	v50, _, _ =	vpop (xrf0);
	vm12 =	vne.s32 v20, $0x0;
	(xrf0) =	vadd.scan.msk.s32 $0xffff, v23;
	v52 =	vsel vm11, $0x1, v2  }
0xb6: {  	(v2sf) =	vpush v50, $0xF;
	v51, _, _ =	vpop (xrf0);
	vm2 =	vne.s32 v22, $0x0;
	v53 =	vsel vm12, $0x1, v2;
	(xrf0) =	vadd.scan.msk.s32 $0xffff, v52  }
0xb7: {  	(v2sf) =	vpush v51, $0xF;
	v55 =	vsel vm2, $0x1, v2;
	(xrf0) =	vadd.scan.msk.s32 $0xffff, v53  }
0xb8: {  	v54, _, _ =	vpop (xrf0);
	(xrf0) =	vadd.scan.msk.s32 $0xffff, v55;
	_ =	sdelay $0x1  }
0xb9: {  	[tilespmem:s30+$0x14100] =	vst.msk vm3, v13;
	(v2sf) =	vpush v54, $0xF  }
0xba: {  	[tilespmem:s26+$0x14100] =	vst.msk vm5, v12;
	v56 =	vor.u32 s24, v1;
	v57, _, _ =	vpop (xrf0)  }
0xbb: {  	s31 =	sadd.s32 $0x10, s24;
	[tilespmem:s28+$0x12080] =	vst.msk vm8, v56;
	s26 =	spop (v2sf);
	(v2sf) =	vpush v57, $0xF;
	v59, _, _ =	vpop (xrf0)  }
0xbc: {  	vm3 =	vmmov vm13;
	v58 =	vor.u32 s31, v1;
	[tilespmem:s28+$0x14100] =	vst.msk vm8, v16;
	s25 =	sadd.s32 s28, s26;
	s28 =	sadd.s32 $0x20, s24;
	s29 =	spop (v2sf);
	(v2sf) =	vpush v59, $0xF;
	v61, _, _ =	vpop (xrf0)  }
0xbd: {  	vm14 =	vmmov vm14;
	[tilespmem:s25+$0x12080] =	vst.msk vm3, v58;
	s26 =	sadd.s32 s25, s29;
	v60 =	vor.u32 s28, v1;
	s31 =	spop (v2sf);
	(v2sf) =	vpush v61, $0xF;
	v63, _, _ =	vpop (xrf0)  }
0xbe: {  	s30 =	sadd.s32 $0x30, s24;
	[tilespmem:s26+$0x12080] =	vst.msk vm14, v60;
	s28 =	spop (v2sf);
	(v2sf) =	vpush v63, $0xF  }
0xbf: {  	vm1 =	vmmov vm1;
	v62 =	vor.u32 s30, v1;
	s24 =	sadd.s32 s26, s31;
	[tilespmem:s25+$0x14100] =	vst.msk vm3, v7  }
0xc0: {  	[tilespmem:s24+$0x12080] =	vst.msk vm1, v62  }
0xc1: {  	[tilespmem:s26+$0x14100] =	vst.msk vm14, v8  }
0xc2: {  	s0 =	sadd.s32 s24, s28;
	v8 =	vor.u32 s22, v1;
	[tilespmem:s24+$0x14100] =	vst.msk vm1, v11;
	vm1 =	vmmov vm9  }
0xc3: {  	vm4 =	vmmov vm4;
	s29 =	sadd.s32 $0x10, s22;
	vm3 =	vmmov vm7;
	[tilespmem:s0+$0x12080] =	vst.msk vm1, v8;
	s30 =	spop (v2sf)  }
0xc4: {  	vm4 =	vmmov vm4;
	v7 =	vor.u32 s29, v1;
	s31 =	sadd.s32 $0x20, s22;
	vm3 =	vmmov vm3;
	[tilespmem:s0+$0x14100] =	vst.msk vm1, v14;
	s0 =	sadd.s32 s0, s30;
	s26 =	spop (v2sf)  }
0xc5: {  	s28 =	sadd.s32 $0x30, s22;
	vm3 =	vmmov vm3;
	vm1 =	vmmov vm6;
	[tilespmem:s0+$0x12080] =	vst.msk vm4, v7;
	s25 =	sadd.s32 s0, s26;
	v7 =	vor.u32 s31, v1;
	s29 =	spop (v2sf)  }
0xc6: {  	vm1 =	vmmov vm1;
	[tilespmem:s25+$0x12080] =	vst.msk vm3, v7;
	s24 =	sadd.s32 s25, s29;
	v7 =	vor.u32 s28, v1  }
0xc7: {  	[tilespmem:s24+$0x12080] =	vst.msk vm1, v7  }
0xc8: {  	s30 =	spop (v2sf);
	[tilespmem:s24+$0x14100] =	vst.msk vm1, v17;
	vm1 =	vmmov vm10  }
0xc9: {  	[tilespmem:s25+$0x14100] =	vst.msk vm3, v9;
	s22 =	sadd.s32 s24, s30;
	v7 =	vor.u32 s23, v1;
	vm1 =	vmmov vm1  }
0xca: {  	vm3 =	vmmov vm11;
	[tilespmem:s22+$0x12080] =	vst.msk vm1, v7;
	s25 =	spop (v2sf)  }
0xcb: {  	vm15 =	vmmov vm12;
	s31 =	sadd.s32 $0x10, s23;
	vm3 =	vmmov vm3;
	[tilespmem:s22+$0x14100] =	vst.msk vm1, v18;
	s22 =	sadd.s32 s22, s25;
	s28 =	spop (v2sf)  }
0xcc: {  	s26 =	sadd.s32 $0x20, s23;
	[tilespmem:s0+$0x14100] =	vst.msk vm4, v10;
	vm4 =	vmmov vm15;
	vm3 =	vmmov vm3;
	v7 =	vor.u32 s31, v1;
	s24 =	sadd.s32 s22, s28;
	s30 =	spop (v2sf)  }
0xcd: {  	s29 =	sadd.s32 $0x30, s23;
	vm1 =	vmmov vm2;
	vm2 =	vmmov vm4;
	[tilespmem:s22+$0x12080] =	vst.msk vm3, v7;
	v7 =	vor.u32 s26, v1;
	s23 =	sadd.s32 s24, s30;
	s31 =	spop (v2sf)  }
0xce: {  	[tilespmem:s24+$0x12080] =	vst.msk vm2, v7;
	s0 =	sadd.s32 s23, s31  }
0xcf: {  	[tilespmem:s24+$0x14100] =	vst.msk vm2, v20;
	s24 =	sadd.s32 $0xF, s0  }
0xd0: {  	p0 =	slt.s32 s24, $0x80  }
.Ltmp9:
0xd1: {  	vm1 =	vmmov vm1;
	v7 =	vor.u32 s29, v1;
	[tilespmem:s22+$0x14100] =	vst.msk vm3, v19;
	(pc) =	sbr.rel @p0 .LBB2_17-.Ltmp9, $4  }
0xd2: {  	[tilespmem:s23+$0x12080] =	vst.msk vm1, v7  }
0xd3: {  	[tilespmem:s23+$0x14100] =	vst.msk vm1, v22  }
0xd4: {  	[tilespmem:s0+$0x12080] =	vst v6  }
0xd5: {  	[tilespmem:s0+$0x14100] =	vst v2;
	s22 =	sand.u32 $0xFFFFFF80, s24  }
0xd6: {  	s0 =	simm.s32 $0x14140  }
0xd7: {  	v7 =	vld [tilespmem:s0+$0x30]  }
0xd8: {  	v8 =	vld [tilespmem:s0+$0xFFFFFFC0]  }
0xd9: {  	v9 =	vld [tilespmem:s0+$0xFFFFFFD0]  }
0xda: {  	s23 =	simm.s32 $0x120C0;
	v11 =	vld [tilespmem:s0+$0xFFFFFFF0]  }
0xdb: {  	v12 =	vld [tilespmem:s23+$0x30]  }
0xdc: {  	v15 =	vld [tilespmem:s0+$0x0]  }
0xdd: {  	v17 =	vld [tilespmem:s0+$0x10]  }
0xde: {  	v18 =	vld [tilespmem:s0+$0x20]  }
0xdf: {  	v20 =	vld [tilespmem:s23+$0xFFFFFFD0];
	v13 =	vshll.u32 v7, $0x3;
	v14 =	vshll.u32 v8, $0x3  }
0xe0: {  	v24 =	vld [tilespmem:s23+$0xFFFFFFF0];
	v7 =	vand.u32 $0x7F, v7;
	v16 =	vshll.u32 v9, $0x3;
	v8 =	vand.u32 $0x7F, v8  }
0xe1: {  	v9 =	vand.u32 $0x7F, v9;
	v19 =	vshll.u32 v11, $0x3;
	v21 =	vshll.u32 v12, $0x3  }
0xe2: {  	v23 =	vshrl.u32 v12, $0x1;
	v12 =	vand.u32 $0xFFFFF87F, v12;
	v25 =	vshll.u32 v15, $0x3  }
0xe3: {  	v10 =	vld [tilespmem:s0+$0xFFFFFFE0];
	v26 =	vshll.u32 v17, $0x3;
	v27 =	vshll.u32 v18, $0x3;
	v11 =	vand.u32 $0x7F, v11  }
0xe4: {  	v15 =	vand.u32 $0x7F, v15;
	v17 =	vand.u32 $0x7F, v17;
	v36 =	vand.u32 $0xFFFFF87F, v20  }
0xe5: {  	v29 =	vld [tilespmem:s23+$0xFFFFFFC0];
	v37 =	vand.u32 $0xFFFFF87F, v24;
	v13 =	vand.u32 $0xFFFFFC00, v13;
	v14 =	vand.u32 $0xFFFFFC00, v14  }
0xe6: {  	v19 =	vand.u32 $0xFFFFFC00, v19;
	v21 =	vand.u32 $0x400, v21;
	v23 =	vand.u32 $0x380, v23  }
0xe7: {  	v28 =	vld [tilespmem:s23+$0x20];
	v26 =	vand.u32 $0xFFFFFC00, v26;
	v27 =	vand.u32 $0xFFFFFC00, v27;
	v7 =	vor.u32 v7, v13  }
0xe8: {  	v13 =	vand.u32 $0xFFFFFC00, v16;
	v16 =	vshll.u32 v10, $0x3;
	v10 =	vand.u32 $0x7F, v10  }
0xe9: {  	v22 =	vld [tilespmem:s23+$0xFFFFFFE0];
	v12 =	vor.u32 v21, v12;
	v8 =	vor.u32 v8, v14;
	v11 =	vor.u32 v11, v19  }
0xea: {  	v14 =	vshll.u32 v20, $0x3;
	v26 =	vor.u32 v17, v26;
	v19 =	vshll.u32 v29, $0x3  }
0xeb: {  	v16 =	vand.u32 $0xFFFFFC00, v16;
	v12 =	vor.u32 v23, v12;
	v23 =	vand.u32 $0xFFFFFC00, v25  }
0xec: {  	v21 =	vld [tilespmem:s23+$0x0];
	v9 =	vor.u32 v9, v13;
	v13 =	vand.u32 $0x7F, v18;
	v18 =	vshll.u32 v28, $0x3  }
0xed: {  	v25 =	vld [tilespmem:s23+$0x10];
	v33 =	vand.u32 $0x400, v19;
	v10 =	vor.u32 v10, v16;
	v23 =	vor.u32 v15, v23  }
0xee: {  	v13 =	vor.u32 v13, v27;
	v15 =	vshll.u32 v22, $0x3;
	v16 =	vshll.u32 v24, $0x3  }
0xef: {  	v27 =	vand.u32 $0x400, v14;
	v30 =	vand.u32 $0x400, v15;
	v31 =	vand.u32 $0x400, v16  }
0xf0: {  	v15 =	vshrl.u32 v29, $0x1;
	v29 =	vand.u32 $0xFFFFF87F, v29;
	v16 =	vshrl.u32 v22, $0x1;
	v32 =	vld.idx.msk [tilespmem:v7+s14+$0x0], $0xffff  }
0xf1: {  	v22 =	vand.u32 $0xFFFFF87F, v22;
	v17 =	vshll.u32 v21, $0x3;
	v7 =	vld.idx.msk [tilespmem:v8+s14+$0x0], $0xffff;
	v38 =	vand.u32 $0xFFFFF87F, v21  }
0xf2: {  	p1 =	sgt.s32 s22, $0x80;
	v14 =	vshll.u32 v25, $0x3;
	v34 =	vand.u32 $0x400, v17;
	v8 =	vld.idx.msk [tilespmem:v9+s14+$0x0], $0xffff;
	v17 =	vshrl.u32 v20, $0x1  }
.Ltmp10:
0xf3: {  	v20 =	vshrl.u32 v21, $0x1;
	v19 =	vshrl.u32 v25, $0x1;
	v63 =	vand.u32 $0xFFFFF87F, v25;
	v9 =	vld.idx.msk [tilespmem:v10+s14+$0x0], $0xffff;
	(pc) =	sbr.rel @!p1 .LBB2_16-.Ltmp10, $4  }
0xf4: {  	v21 =	vshrl.u32 v28, $0x1;
	v25 =	vand.u32 $0xFFFFF87F, v28;
	v28 =	vor.u32 v33, v29;
	v10 =	vld.idx.msk [tilespmem:v11+s14+$0x0], $0xffff  }
0xf5: {  	v35 =	vand.u32 $0x400, v14;
	v14 =	vand.u32 $0x400, v18;
	v18 =	vshrl.u32 v24, $0x1;
	v11 =	vld.idx.msk [tilespmem:v23+s14+$0x0], $0xffff  }
0xf6: {  	v24 =	vor.u32 v30, v22;
	v13 =	vld.idx.msk [tilespmem:v13+s14+$0x0], $0xffff;
	v23 =	vor.u32 v34, v38;
	v22 =	vor.u32 v35, v63  }
0xf7: {  	s25 =	simm.s32 $0x80;
	s26 =	simm.s32 $0x141C0;
	[tilespmem:v12+s17+$0x0] =	vst.idx.msk $0xffff, v32;
	v12 =	vld.idx.msk [tilespmem:v26+s14+$0x0], $0xffff;
	v26 =	vor.u32 v27, v36;
	v27 =	vor.u32 v31, v37  }
.LBB2_15:
0xf8: {  	v29 =	vld [tilespmem:s26+$0x30];
	s25 =	sadd.s32 $0x80, s25;
	v15 =	vand.u32 $0x380, v15;
	v17 =	vand.u32 $0x380, v17;
	v14 =	vor.u32 v14, v25  }
0xf9: {  	v16 =	vand.u32 $0x380, v16;
	v18 =	vand.u32 $0x380, v18;
	v20 =	vand.u32 $0x380, v20;
	v25 =	vld [tilespmem:s26+$0xFFFFFFC0];
	p1 =	slt.s32 s25, s22  }
0xfa: {  	v19 =	vand.u32 $0x380, v19;
	v21 =	vand.u32 $0x380, v21;
	v15 =	vor.u32 v15, v28;
	v30 =	vld [tilespmem:s26+$0xFFFFFFD0]  }
0xfb: {  	v17 =	vor.u32 v17, v26;
	v16 =	vor.u32 v16, v24;
	v18 =	vor.u32 v18, v27;
	v28 =	vld [tilespmem:s26+$0xFFFFFFE0]  }
0xfc: {  	s23 =	sadd.s32 $0x80, s23;
	v20 =	vor.u32 v20, v23;
	v19 =	vor.u32 v19, v22;
	v14 =	vor.u32 v21, v14;
	v24 =	vld [tilespmem:s26+$0xFFFFFFF0]  }
0xfd: {  	v21 =	vld [tilespmem:s23+$0x30];
	v22 =	vshll.u32 v29, $0x3  }
0xfe: {  	v27 =	vand.u32 $0x7F, v29;
	v23 =	vshll.u32 v25, $0x3;
	v26 =	vld [tilespmem:s26+$0x0];
	v22 =	vand.u32 $0xFFFFFC00, v22  }
0xff: {  	v23 =	vand.u32 $0xFFFFFC00, v23;
	v29 =	vshll.u32 v30, $0x3;
	v31 =	vld [tilespmem:s26+$0x10];
	v22 =	vor.u32 v27, v22;
	[tilespmem:v15+s17+$0x0] =	vst.idx.msk $0xffff, v7  }
0x100: {  	v7 =	vand.u32 $0x7F, v25;
	v15 =	vand.u32 $0xFFFFFC00, v29;
	v25 =	vshll.u32 v28, $0x3;
	v27 =	vld [tilespmem:s26+$0x20];
	[tilespmem:v17+s17+$0x0] =	vst.idx.msk $0xffff, v8  }
0x101: {  	v8 =	vand.u32 $0x7F, v30;
	v29 =	vld [tilespmem:s23+$0xFFFFFFD0];
	v17 =	vand.u32 $0xFFFFFC00, v25;
	v25 =	vshll.u32 v24, $0x3;
	[tilespmem:v16+s17+$0x0] =	vst.idx.msk $0xffff, v9  }
0x102: {  	v9 =	vand.u32 $0x7F, v28;
	v30 =	vld [tilespmem:s23+$0xFFFFFFE0];
	v16 =	vand.u32 $0xFFFFFC00, v25;
	v25 =	vshll.u32 v21, $0x3;
	[tilespmem:v18+s17+$0x0] =	vst.idx.msk $0xffff, v10  }
0x103: {  	v18 =	vshrl.u32 v21, $0x1;
	v21 =	vand.u32 $0xFFFFF87F, v21;
	v28 =	vld [tilespmem:s23+$0xFFFFFFF0];
	v10 =	vand.u32 $0x400, v25;
	[tilespmem:v20+s17+$0x0] =	vst.idx.msk $0xffff, v11  }
0x104: {  	v11 =	vshll.u32 v26, $0x3;
	v18 =	vand.u32 $0x380, v18;
	v20 =	vld.idx.msk [tilespmem:v22+s14+$0x0], $0xffff;
	v10 =	vor.u32 v10, v21;
	[tilespmem:v19+s17+$0x0] =	vst.idx.msk $0xffff, v12  }
0x105: {  	v19 =	vshll.u32 v31, $0x3;
	v12 =	vld [tilespmem:s23+$0x0];
	v21 =	vshll.u32 v27, $0x3;
	v10 =	vor.u32 v18, v10;
	[tilespmem:v14+s17+$0x0] =	vst.idx.msk $0xffff, v13  }
0x106: {  	v11 =	vand.u32 $0xFFFFFC00, v11;
	v14 =	vand.u32 $0xFFFFFC00, v19;
	v13 =	vld [tilespmem:s23+$0x10];
	v18 =	vand.u32 $0xFFFFFC00, v21  }
0x107: {  	v22 =	vand.u32 $0x7F, v31;
	v19 =	vand.u32 $0x7F, v24;
	v21 =	vand.u32 $0x7F, v26;
	v24 =	vld [tilespmem:s23+$0x20]  }
0x108: {  	v7 =	vor.u32 v7, v23;
	v8 =	vor.u32 v8, v15;
	v15 =	vand.u32 $0x7F, v27;
	v25 =	vld [tilespmem:s23+$0xFFFFFFC0]  }
0x109: {  	v9 =	vor.u32 v9, v17;
	v19 =	vor.u32 v19, v16;
	v11 =	vor.u32 v21, v11  }
0x10a: {  	v16 =	vshll.u32 v29, $0x3;
	v21 =	vor.u32 v22, v14;
	v22 =	vor.u32 v15, v18;
	[tilespmem:v10+s17+$0x0] =	vst.idx.msk $0xffff, v20  }
0x10b: {  	v14 =	vshll.u32 v28, $0x3;
	v10 =	vshll.u32 v30, $0x3;
	v15 =	vshll.u32 v12, $0x3  }
0x10c: {  	v23 =	vand.u32 $0x400, v16;
	v16 =	vshll.u32 v13, $0x3;
	v17 =	vshll.u32 v24, $0x3  }
0x10d: {  	v31 =	vand.u32 $0x400, v14;
	v27 =	vand.u32 $0x400, v10;
	v7 =	vld.idx.msk [tilespmem:v7+s14+$0x0], $0xffff;
	v18 =	vshll.u32 v25, $0x3  }
0x10e: {  	v32 =	vand.u32 $0x400, v15;
	v33 =	vand.u32 $0x400, v16;
	v26 =	vand.u32 $0x400, v18;
	v8 =	vld.idx.msk [tilespmem:v8+s14+$0x0], $0xffff  }
0x10f: {  	v15 =	vshrl.u32 v25, $0x1;
	v34 =	vand.u32 $0xFFFFF87F, v25;
	v14 =	vand.u32 $0x400, v17;
	v9 =	vld.idx.msk [tilespmem:v9+s14+$0x0], $0xffff  }
0x110: {  	v16 =	vshrl.u32 v30, $0x1;
	v17 =	vshrl.u32 v29, $0x1;
	v29 =	vand.u32 $0xFFFFF87F, v29;
	v10 =	vld.idx.msk [tilespmem:v19+s14+$0x0], $0xffff  }
.Ltmp11:
0x111: {  	v35 =	vand.u32 $0xFFFFF87F, v28;
	v30 =	vand.u32 $0xFFFFF87F, v30;
	v18 =	vshrl.u32 v28, $0x1;
	v11 =	vld.idx.msk [tilespmem:v11+s14+$0x0], $0xffff;
	(pc) =	sbr.rel @p1 .LBB2_15-.Ltmp11, $4  }
0x112: {  	v20 =	vshrl.u32 v12, $0x1;
	v36 =	vand.u32 $0xFFFFF87F, v12;
	v19 =	vshrl.u32 v13, $0x1;
	v12 =	vld.idx.msk [tilespmem:v21+s14+$0x0], $0xffff  }
0x113: {  	v37 =	vand.u32 $0xFFFFF87F, v13;
	v25 =	vand.u32 $0xFFFFF87F, v24;
	v21 =	vshrl.u32 v24, $0x1;
	v13 =	vld.idx.msk [tilespmem:v22+s14+$0x0], $0xffff  }
0x114: {  	v28 =	vor.u32 v26, v34;
	v26 =	vor.u32 v23, v29;
	v24 =	vor.u32 v27, v30  }
0x115: {  	s26 =	sadd.s32 $0x80, s26;
	v23 =	vor.u32 v32, v36;
	v27 =	vor.u32 v31, v35;
	v22 =	vor.u32 v33, v37  }
.LBB2_16:
0x116: {  	v15 =	vand.u32 $0x380, v15  }
0x117: {  	v17 =	vand.u32 $0x380, v17;
	v15 =	vor.u32 v15, v28  }
0x118: {  	v16 =	vand.u32 $0x380, v16;
	v17 =	vor.u32 v17, v26  }
0x119: {  	v18 =	vand.u32 $0x380, v18;
	v16 =	vor.u32 v16, v24  }
0x11a: {  	v20 =	vand.u32 $0x380, v20;
	v18 =	vor.u32 v18, v27  }
0x11b: {  	v19 =	vand.u32 $0x380, v19;
	v20 =	vor.u32 v20, v23  }
0x11c: {  	v14 =	vor.u32 v14, v25;
	v21 =	vand.u32 $0x380, v21;
	v19 =	vor.u32 v19, v22;
	[tilespmem:v15+s17+$0x0] =	vst.idx.msk $0xffff, v7  }
0x11d: {  	v7 =	vor.u32 v21, v14;
	[tilespmem:v17+s17+$0x0] =	vst.idx.msk $0xffff, v8  }
0x11e: {  	[tilespmem:v16+s17+$0x0] =	vst.idx.msk $0xffff, v9  }
0x11f: {  	[tilespmem:v18+s17+$0x0] =	vst.idx.msk $0xffff, v10  }
0x120: {  	[tilespmem:v20+s17+$0x0] =	vst.idx.msk $0xffff, v11  }
0x121: {  	[tilespmem:v19+s17+$0x0] =	vst.idx.msk $0xffff, v12  }
0x122: {  	[tilespmem:v7+s17+$0x0] =	vst.idx.msk $0xffff, v13  }
.LBB2_17:
0x123: {  	s23 =	sand.u32 $0xFFFFFFF0, s24  }
0x124: {  	p1 =	sge.s32 s22, s23  }
.Ltmp12:
0x125: {  	_ = 	snop;
	(pc) =	sbr.rel @p1 .LBB2_20-.Ltmp12, $3  }
0x126: {  	_ =	sdelay $0x1  }
0x127: {  	s0 =	sshll.u32 s24, $0x2  }
0x128: {  	s24 =	sshra.s32 s0, $0x2  }
0x129: {  	s25 =	sand.u32 $0xFFFFFF80, s24  }
0x12a: {  	s26 =	smov.u32 s22;
	s0 =	sadd.s32 $0x14100, s25;
	s25 =	sadd.s32 $0x12080, s25  }
.LBB2_19:
0x12b: {  	v7 =	vld [tilespmem:s0+$0x0];
	_ =	sdelay $0x3  }
0x12c: {  	v8 =	vld [tilespmem:s25+$0x0]  }
0x12d: {  	v9 =	vshll.u32 v7, $0x3  }
0x12e: {  	v7 =	vand.u32 $0x7F, v7;
	v9 =	vand.u32 $0xFFFFFC00, v9  }
0x12f: {  	v7 =	vor.u32 v7, v9;
	_ =	sdelay $0x1  }
0x130: {  	v63 =	vshll.u32 v8, $0x3  }
0x131: {  	v10 =	vshrl.u32 v8, $0x1;
	v8 =	vand.u32 $0xFFFFF87F, v8;
	v9 =	vand.u32 $0x400, v63  }
0x132: {  	s26 =	sadd.s32 $0x10, s26;
	v10 =	vand.u32 $0x380, v10;
	v8 =	vor.u32 v9, v8  }
0x133: {  	p2 =	slt.s32 s26, s23;
	v8 =	vor.u32 v10, v8;
	v7 =	vld.idx.msk [tilespmem:v7+s14+$0x0], $0xffff  }
.Ltmp13:
0x134: {  	_ = 	snop;
	(pc) =	sbr.rel @p2 .LBB2_19-.Ltmp13, $2  }
0x135: {  	_ =	sdelay $0x2  }
0x136: {  	s0 =	sadd.s32 $0x10, s0;
	s25 =	sadd.s32 $0x10, s25;
	[tilespmem:v8+s17+$0x0] =	vst.idx.msk $0xffff, v7  }
.LBB2_20:
.Ltmp14:
0x137: {  	(pc) =	sbr.rel @p0 .LBB2_24-.Ltmp14, $2  }
0x138: {  	_ =	sdelay $0x2  }
0x139: {  	[hbm4b:s9+s4] =	stream.linear.scatter [tilespmem:s17], [sflag:$0x2], $0x4000, $0x38;
	[tilespmem:$0x1F180] =	vst v63  }
0x13a: {  	s0 =	simm.s32 $0x14140  }
0x13b: {  	v7 =	vld [tilespmem:s0+$0x30]  }
0x13c: {  	v8 =	vld [tilespmem:s0+$0xFFFFFFC0]  }
0x13d: {  	v9 =	vld [tilespmem:s0+$0xFFFFFFD0]  }
0x13e: {  	v10 =	vld [tilespmem:s0+$0xFFFFFFE0]  }
0x13f: {  	v11 =	vld [tilespmem:s0+$0xFFFFFFF0]  }
0x140: {  	s25 =	simm.s32 $0x120C0;
	v12 =	vld [tilespmem:s0+$0x0]  }
0x141: {  	v15 =	vld [tilespmem:s25+$0x30]  }
0x142: {  	v18 =	vld [tilespmem:s0+$0x20]  }
0x143: {  	v22 =	vld [tilespmem:s25+$0xFFFFFFD0];
	v13 =	vshll.u32 v7, $0x3  }
0x144: {  	v24 =	vld [tilespmem:s25+$0xFFFFFFE0];
	v14 =	vshll.u32 v8, $0x3;
	v7 =	vand.u32 $0x7F, v7;
	v16 =	vshll.u32 v9, $0x3  }
0x145: {  	v17 =	vshll.u32 v10, $0x3;
	v8 =	vand.u32 $0x7F, v8;
	v19 =	vshll.u32 v11, $0x3  }
0x146: {  	v9 =	vand.u32 $0x7F, v9;
	v20 =	vshll.u32 v12, $0x3;
	v10 =	vand.u32 $0x7F, v10  }
0x147: {  	v21 =	vshll.u32 v15, $0x3;
	v23 =	vshrl.u32 v15, $0x1;
	v15 =	vand.u32 $0xFFFFF87F, v15  }
0x148: {  	v26 =	vshll.u32 v18, $0x3;
	v11 =	vand.u32 $0x7F, v11;
	v12 =	vand.u32 $0x7F, v12  }
0x149: {  	v27 =	vld [tilespmem:s25+$0x0];
	v36 =	vand.u32 $0xFFFFF87F, v22;
	v37 =	vand.u32 $0xFFFFF87F, v24;
	v13 =	vand.u32 $0xFFFFFC00, v13  }
0x14a: {  	v29 =	vld [tilespmem:s25+$0x20];
	v14 =	vand.u32 $0xFFFFFC00, v14;
	v16 =	vand.u32 $0xFFFFFC00, v16;
	v17 =	vand.u32 $0xFFFFFC00, v17  }
0x14b: {  	v19 =	vand.u32 $0xFFFFFC00, v19;
	v20 =	vand.u32 $0xFFFFFC00, v20;
	v21 =	vand.u32 $0x400, v21  }
0x14c: {  	v23 =	vand.u32 $0x380, v23;
	v7 =	vor.u32 v13, v7;
	v15 =	vor.u32 v21, v15  }
0x14d: {  	v8 =	vor.u32 v14, v8;
	v14 =	vand.u32 $0x7F, v18;
	v9 =	vor.u32 v16, v9  }
0x14e: {  	v28 =	vld [tilespmem:s25+$0x10];
	v10 =	vor.u32 v17, v10;
	v11 =	vor.u32 v19, v11;
	v12 =	vor.u32 v20, v12  }
0x14f: {  	v13 =	vld [tilespmem:s0+$0x10];
	v16 =	vshll.u32 v22, $0x3;
	v18 =	vshll.u32 v27, $0x3;
	v19 =	vshll.u32 v29, $0x3  }
0x150: {  	v7 =	vor.u32 $0x80, v7;
	v23 =	vor.u32 v23, v15;
	v15 =	vand.u32 $0xFFFFFC00, v26  }
0x151: {  	v8 =	vor.u32 $0x80, v8;
	v9 =	vor.u32 $0x80, v9;
	v10 =	vor.u32 $0x80, v10  }
0x152: {  	v11 =	vor.u32 $0x80, v11;
	v12 =	vor.u32 $0x80, v12;
	v32 =	vand.u32 $0x400, v16  }
0x153: {  	v21 =	vld [tilespmem:s25+$0xFFFFFFF0];
	v16 =	vand.u32 $0x400, v18;
	v18 =	vshrl.u32 v22, $0x1;
	v14 =	vor.u32 v15, v14  }
0x154: {  	v26 =	vld [tilespmem:s25+$0xFFFFFFC0];
	v22 =	vshrl.u32 v28, $0x1;
	v31 =	vor.u32 $0x80, v14;
	v25 =	vshll.u32 v13, $0x3  }
0x155: {  	v14 =	vshll.u32 v24, $0x3;
	v13 =	vand.u32 $0x7F, v13;
	v25 =	vand.u32 $0xFFFFFC00, v25  }
0x156: {  	v33 =	vand.u32 $0x400, v14;
	v14 =	vand.u32 $0x400, v19;
	v30 =	vld.idx.msk [tilespmem:v7+s14+$0x0], $0xffff;
	v13 =	vor.u32 v25, v13  }
0x157: {  	v19 =	vshrl.u32 v24, $0x1;
	v24 =	vand.u32 $0xFFFFF87F, v27;
	v7 =	vld.idx.msk [tilespmem:v8+s14+$0x0], $0xffff;
	v13 =	vor.u32 $0x80, v13  }
0x158: {  	p2 =	sgt.s32 s22, $0x80;
	v17 =	vshll.u32 v21, $0x3;
	v20 =	vshrl.u32 v21, $0x1;
	v38 =	vand.u32 $0xFFFFF87F, v21;
	v8 =	vld.idx.msk [tilespmem:v9+s14+$0x0], $0xffff  }
.Ltmp15:
0x159: {  	v21 =	vshrl.u32 v27, $0x1;
	v15 =	vshll.u32 v26, $0x3;
	v34 =	vand.u32 $0x400, v17;
	v9 =	vld.idx.msk [tilespmem:v10+s14+$0x0], $0xffff;
	(pc) =	sbr.rel @!p2 .LBB2_23-.Ltmp15, $4  }
0x15a: {  	v17 =	vshrl.u32 v26, $0x1;
	v35 =	vand.u32 $0xFFFFF87F, v26;
	v10 =	vld.idx.msk [tilespmem:v11+s14+$0x0], $0xffff;
	v26 =	vand.u32 $0xFFFFF87F, v28  }
0x15b: {  	v11 =	vld.idx.msk [tilespmem:v12+s14+$0x0], $0xffff;
	v25 =	vand.u32 $0x400, v15;
	v15 =	vshll.u32 v28, $0x3;
	v28 =	vor.u32 v33, v37  }
0x15c: {  	v27 =	vor.u32 v34, v38;
	v15 =	vand.u32 $0x400, v15;
	v25 =	vor.u32 v25, v35;
	v12 =	vld.idx.msk [tilespmem:v13+s14+$0x0], $0xffff  }
0x15d: {  	s26 =	simm.s32 $0x80;
	s28 =	simm.s32 $0x141C0;
	[tilespmem:v23+s18+$0x0] =	vst.idx.msk $0xffff, v30;
	v23 =	vshrl.u32 v29, $0x1;
	v30 =	vand.u32 $0xFFFFF87F, v29;
	v29 =	vor.u32 v32, v36;
	v13 =	vld.idx.msk [tilespmem:v31+s14+$0x0], $0xffff  }
.LBB2_22:
0x15e: {  	v31 =	vld [tilespmem:s28+$0x30];
	s26 =	sadd.s32 $0x80, s26;
	v16 =	vor.u32 v16, v24;
	v15 =	vor.u32 v15, v26;
	v14 =	vor.u32 v14, v30  }
0x15f: {  	v17 =	vand.u32 $0x380, v17;
	v18 =	vand.u32 $0x380, v18;
	v19 =	vand.u32 $0x380, v19;
	v24 =	vld [tilespmem:s28+$0xFFFFFFC0];
	p2 =	slt.s32 s26, s22  }
0x160: {  	v20 =	vand.u32 $0x380, v20;
	v21 =	vand.u32 $0x380, v21;
	v22 =	vand.u32 $0x380, v22;
	v26 =	vld [tilespmem:s28+$0xFFFFFFD0]  }
0x161: {  	v23 =	vand.u32 $0x380, v23;
	v17 =	vor.u32 v17, v25;
	v18 =	vor.u32 v18, v29;
	v30 =	vld [tilespmem:s28+$0xFFFFFFE0]  }
0x162: {  	v19 =	vor.u32 v19, v28;
	v20 =	vor.u32 v20, v27;
	v16 =	vor.u32 v21, v16;
	v25 =	vld [tilespmem:s28+$0xFFFFFFF0]  }
0x163: {  	s25 =	sadd.s32 $0x80, s25;
	v15 =	vor.u32 v22, v15;
	v14 =	vor.u32 v23, v14;
	v21 =	vld [tilespmem:s28+$0x0];
	v27 =	vshll.u32 v31, $0x3  }
0x164: {  	v28 =	vand.u32 $0x7F, v31;
	v22 =	vshll.u32 v24, $0x3;
	v23 =	vld [tilespmem:s25+$0x30];
	v27 =	vand.u32 $0xFFFFFC00, v27  }
0x165: {  	v22 =	vand.u32 $0xFFFFFC00, v22;
	v29 =	vshll.u32 v26, $0x3;
	v31 =	vld [tilespmem:s28+$0x10];
	v27 =	vor.u32 v27, v28  }
0x166: {  	v28 =	vand.u32 $0xFFFFFC00, v29;
	v29 =	vshll.u32 v30, $0x3;
	v32 =	vld [tilespmem:s28+$0x20];
	v27 =	vor.u32 $0x80, v27;
	[tilespmem:v17+s18+$0x0] =	vst.idx.msk $0xffff, v7  }
0x167: {  	v7 =	vand.u32 $0x7F, v24;
	v24 =	vld [tilespmem:s25+$0xFFFFFFD0];
	v17 =	vand.u32 $0xFFFFFC00, v29;
	v29 =	vshll.u32 v25, $0x3;
	[tilespmem:v18+s18+$0x0] =	vst.idx.msk $0xffff, v8  }
0x168: {  	v8 =	vand.u32 $0x7F, v26;
	v26 =	vld [tilespmem:s25+$0xFFFFFFE0];
	v18 =	vand.u32 $0xFFFFFC00, v29;
	v29 =	vshll.u32 v21, $0x3;
	[tilespmem:v19+s18+$0x0] =	vst.idx.msk $0xffff, v9  }
0x169: {  	v9 =	vand.u32 $0x7F, v30;
	v30 =	vld [tilespmem:s25+$0xFFFFFFF0];
	v19 =	vand.u32 $0xFFFFFC00, v29;
	v29 =	vshll.u32 v23, $0x3;
	[tilespmem:v20+s18+$0x0] =	vst.idx.msk $0xffff, v10  }
0x16a: {  	v20 =	vshrl.u32 v23, $0x1;
	v23 =	vand.u32 $0xFFFFF87F, v23;
	v33 =	vld [tilespmem:s25+$0x0];
	v10 =	vand.u32 $0x400, v29;
	[tilespmem:v16+s18+$0x0] =	vst.idx.msk $0xffff, v11  }
0x16b: {  	v11 =	vshll.u32 v31, $0x3;
	v20 =	vand.u32 $0x380, v20;
	v16 =	vld.idx.msk [tilespmem:v27+s14+$0x0], $0xffff;
	v10 =	vor.u32 v10, v23;
	[tilespmem:v15+s18+$0x0] =	vst.idx.msk $0xffff, v12  }
0x16c: {  	v11 =	vand.u32 $0xFFFFFC00, v11;
	v12 =	vshll.u32 v32, $0x3;
	v23 =	vld [tilespmem:s25+$0x10];
	v10 =	vor.u32 v20, v10;
	[tilespmem:v14+s18+$0x0] =	vst.idx.msk $0xffff, v13  }
0x16d: {  	v13 =	vand.u32 $0x7F, v25;
	v14 =	vand.u32 $0x7F, v21;
	v12 =	vand.u32 $0xFFFFFC00, v12;
	v27 =	vld [tilespmem:s25+$0x20]  }
0x16e: {  	v7 =	vor.u32 v22, v7;
	v15 =	vand.u32 $0x7F, v31;
	v21 =	vand.u32 $0x7F, v32;
	v20 =	vld [tilespmem:s25+$0xFFFFFFC0]  }
0x16f: {  	v8 =	vor.u32 v28, v8;
	v9 =	vor.u32 v17, v9;
	v13 =	vor.u32 v18, v13  }
0x170: {  	v11 =	vor.u32 v11, v15;
	v14 =	vor.u32 v19, v14;
	v12 =	vor.u32 v12, v21  }
0x171: {  	v7 =	vor.u32 $0x80, v7;
	v8 =	vor.u32 $0x80, v8;
	v9 =	vor.u32 $0x80, v9;
	[tilespmem:v10+s18+$0x0] =	vst.idx.msk $0xffff, v16  }
0x172: {  	v22 =	vor.u32 $0x80, v11;
	v10 =	vor.u32 $0x80, v13;
	v13 =	vor.u32 $0x80, v14  }
0x173: {  	v28 =	vor.u32 $0x80, v12;
	v14 =	vshll.u32 v24, $0x3;
	v11 =	vshll.u32 v20, $0x3  }
0x174: {  	v12 =	vshll.u32 v26, $0x3;
	v15 =	vshll.u32 v30, $0x3;
	v16 =	vshll.u32 v33, $0x3  }
0x175: {  	v17 =	vshll.u32 v27, $0x3;
	v25 =	vand.u32 $0x400, v11;
	v11 =	vshll.u32 v23, $0x3  }
0x176: {  	v31 =	vand.u32 $0x400, v12;
	v32 =	vand.u32 $0x400, v15;
	v29 =	vand.u32 $0x400, v14;
	v7 =	vld.idx.msk [tilespmem:v7+s14+$0x0], $0xffff  }
0x177: {  	v16 =	vand.u32 $0x400, v16;
	v14 =	vand.u32 $0x400, v17;
	v15 =	vand.u32 $0x400, v11;
	v8 =	vld.idx.msk [tilespmem:v8+s14+$0x0], $0xffff  }
0x178: {  	v18 =	vshrl.u32 v24, $0x1;
	v17 =	vshrl.u32 v20, $0x1;
	v34 =	vand.u32 $0xFFFFF87F, v20;
	v9 =	vld.idx.msk [tilespmem:v9+s14+$0x0], $0xffff  }
.Ltmp16:
0x179: {  	v35 =	vand.u32 $0xFFFFF87F, v24;
	v19 =	vshrl.u32 v26, $0x1;
	v36 =	vand.u32 $0xFFFFF87F, v26;
	v10 =	vld.idx.msk [tilespmem:v10+s14+$0x0], $0xffff;
	(pc) =	sbr.rel @p2 .LBB2_22-.Ltmp16, $4  }
0x17a: {  	v37 =	vand.u32 $0xFFFFF87F, v30;
	v21 =	vshrl.u32 v33, $0x1;
	v20 =	vshrl.u32 v30, $0x1;
	v11 =	vld.idx.msk [tilespmem:v13+s14+$0x0], $0xffff  }
0x17b: {  	v24 =	vand.u32 $0xFFFFF87F, v33;
	v26 =	vand.u32 $0xFFFFF87F, v23;
	v12 =	vld.idx.msk [tilespmem:v22+s14+$0x0], $0xffff;
	v22 =	vshrl.u32 v23, $0x1  }
0x17c: {  	v30 =	vand.u32 $0xFFFFF87F, v27;
	v25 =	vor.u32 v25, v34;
	v23 =	vshrl.u32 v27, $0x1;
	v13 =	vld.idx.msk [tilespmem:v28+s14+$0x0], $0xffff  }
0x17d: {  	s28 =	sadd.s32 $0x80, s28;
	v29 =	vor.u32 v29, v35;
	v27 =	vor.u32 v32, v37;
	v28 =	vor.u32 v31, v36  }
.LBB2_23:
0x17e: {  	v17 =	vand.u32 $0x380, v17  }
0x17f: {  	v18 =	vand.u32 $0x380, v18;
	v17 =	vor.u32 v17, v25  }
0x180: {  	v19 =	vand.u32 $0x380, v19;
	v18 =	vor.u32 v18, v29  }
0x181: {  	v20 =	vand.u32 $0x380, v20;
	v19 =	vor.u32 v19, v28  }
0x182: {  	v16 =	vor.u32 v16, v24;
	v21 =	vand.u32 $0x380, v21;
	v20 =	vor.u32 v20, v27  }
0x183: {  	v15 =	vor.u32 v15, v26;
	v22 =	vand.u32 $0x380, v22;
	v16 =	vor.u32 v21, v16  }
0x184: {  	v14 =	vor.u32 v14, v30;
	v63 =	vand.u32 $0x380, v23;
	v15 =	vor.u32 v22, v15;
	[tilespmem:v17+s18+$0x0] =	vst.idx.msk $0xffff, v7  }
0x185: {  	v7 =	vor.u32 v63, v14;
	[tilespmem:v18+s18+$0x0] =	vst.idx.msk $0xffff, v8  }
0x186: {  	[tilespmem:v19+s18+$0x0] =	vst.idx.msk $0xffff, v9  }
0x187: {  	[tilespmem:v20+s18+$0x0] =	vst.idx.msk $0xffff, v10  }
0x188: {  	[tilespmem:v16+s18+$0x0] =	vst.idx.msk $0xffff, v11  }
0x189: {  	[tilespmem:v15+s18+$0x0] =	vst.idx.msk $0xffff, v12  }
0x18a: {  	[tilespmem:v7+s18+$0x0] =	vst.idx.msk $0xffff, v13  }
.LBB2_24:
.Ltmp17:
0x18b: {  	(pc) =	sbr.rel @p1 .LBB2_27-.Ltmp17, $1  }
0x18c: {  	_ =	sdelay $0x3  }
0x18d: {  	s25 =	sand.u32 $0xFFFFFF80, s24  }
0x18e: {  	s26 =	smov.u32 s22;
	s0 =	sadd.s32 $0x14100, s25;
	s25 =	sadd.s32 $0x12080, s25  }
.LBB2_26:
0x18f: {  	v7 =	vld [tilespmem:s0+$0x0];
	_ =	sdelay $0x4  }
0x190: {  	v8 =	vld [tilespmem:s25+$0x0];
	v9 =	vshll.u32 v7, $0x3  }
0x191: {  	v7 =	vand.u32 $0x7F, v7;
	v9 =	vand.u32 $0xFFFFFC00, v9  }
0x192: {  	v7 =	vor.u32 v9, v7  }
0x193: {  	v7 =	vor.u32 $0x80, v7;
	_ =	sdelay $0x1  }
0x194: {  	v63 =	vshll.u32 v8, $0x3  }
0x195: {  	v10 =	vshrl.u32 v8, $0x1;
	v8 =	vand.u32 $0xFFFFF87F, v8;
	v9 =	vand.u32 $0x400, v63  }
0x196: {  	s26 =	sadd.s32 $0x10, s26;
	v10 =	vand.u32 $0x380, v10;
	v8 =	vor.u32 v9, v8  }
0x197: {  	p2 =	slt.s32 s26, s23;
	v8 =	vor.u32 v10, v8;
	v7 =	vld.idx.msk [tilespmem:v7+s14+$0x0], $0xffff  }
.Ltmp18:
0x198: {  	_ = 	snop;
	(pc) =	sbr.rel @p2 .LBB2_26-.Ltmp18, $2  }
0x199: {  	_ =	sdelay $0x2  }
0x19a: {  	s0 =	sadd.s32 $0x10, s0;
	s25 =	sadd.s32 $0x10, s25;
	[tilespmem:v8+s18+$0x0] =	vst.idx.msk $0xffff, v7  }
.LBB2_27:
.Ltmp19:
0x19b: {  	(pc) =	sbr.rel .LBB2_28-.Ltmp19, $4  }
0x19c: {  	_ = 	snop  }
0x19d: {  	[hbm4b:s10+s4] =	stream.linear.scatter [tilespmem:s18], [sflag:$0x3], $0x4000, $0x38;
	[tilespmem:$0x1F180] =	vst v63  }
0x19e: {  	s0 =	sand.u32 $0xFFFFFF80, s24  }
0x19f: {  	s26 =	simm.s32 $0x1;
	s24 =	sadd.s32 $0x14100, s0;
	s25 =	sadd.s32 $0x12080, s0  }
.LBB2_42:
0x1a0: {  	s26 =	sadd.s32 $0x1, s26  }
0x1a1: {  	p2 =	sne.s32 s26, $0x20  }
.Ltmp20:
0x1a2: {  	s0 =	sshll.u32 s28, $0x10;
	(pc) =	sbr.rel @!p2 .LBB2_43-.Ltmp20, $4  }
0x1a3: {  	s0 =	sadd.s32 s5, s0  }
0x1a4: {  	s0 =	sshrl.u32 s0, $0x3  }
0x1a5: {  	s0 =	sadd.s32 s3, s0  }
0x1a6: {  	[hbm4b:s0+s4] =	stream.linear.scatter [tilespmem:s18], [sflag:$0x3], $0x4000, $0x38;
	[tilespmem:$0x1F180] =	vst v63  }
.LBB2_28:
.Ltmp21:
0x1a7: {  	(pc) =	sbr.rel @p0 .LBB2_32-.Ltmp21, $4  }
0x1a8: {  	_ = 	snop  }
0x1a9: {  	s28 =	sshll.u32 s26, $0x1;
	_ =	swait.ge [sflag:s19], $0x4000  }
0x1aa: {  	[sflag:s19] =	ssyncset.done $0x0;
	v8 =	vmov s28  }
0x1ab: {  	[sflag:s19] =	ssyncadd.s32 $0xFFFFC000;
	v7 =	vshll.u32 v8, $0x9;
	v8 =	vshll.u32 v8, $0x7  }
0x1ac: {  	s0 =	simm.s32 $0x14140  }
0x1ad: {  	v11 =	vld [tilespmem:s0+$0x30]  }
0x1ae: {  	v12 =	vld [tilespmem:s0+$0xFFFFFFC0]  }
0x1af: {  	v13 =	vld [tilespmem:s0+$0xFFFFFFD0]  }
0x1b0: {  	v14 =	vld [tilespmem:s0+$0xFFFFFFE0]  }
0x1b1: {  	v15 =	vld [tilespmem:s0+$0xFFFFFFF0]  }
0x1b2: {  	v16 =	vld [tilespmem:s0+$0x0]  }
0x1b3: {  	s29 =	simm.s32 $0x120C0;
	v19 =	vld [tilespmem:s0+$0x10]  }
0x1b4: {  	v21 =	vld [tilespmem:s29+$0x30]  }
0x1b5: {  	v9 =	vand.u32 $0x7000, v7  }
0x1b6: {  	v10 =	vand.u32 $0x300, v8;
	v29 =	vld [tilespmem:s29+$0xFFFFFFE0];
	v17 =	vshll.u32 v11, $0x3;
	v18 =	vand.u32 $0x7F, v12  }
0x1b7: {  	v30 =	vld [tilespmem:s29+$0x0];
	v12 =	vshll.u32 v12, $0x3;
	v20 =	vshll.u32 v13, $0x3;
	v11 =	vand.u32 $0x7F, v11  }
0x1b8: {  	v22 =	vshll.u32 v14, $0x3;
	v23 =	vshll.u32 v15, $0x3;
	v24 =	vshll.u32 v16, $0x3  }
0x1b9: {  	v25 =	vshll.u32 v19, $0x3;
	v26 =	vshll.u32 v21, $0x3;
	v27 =	vshrl.u32 v21, $0x1  }
0x1ba: {  	v21 =	vand.u32 $0xFFFFF87F, v21;
	v13 =	vand.u32 $0x7F, v13;
	v14 =	vand.u32 $0x7F, v14  }
0x1bb: {  	v15 =	vand.u32 $0x7F, v15;
	v16 =	vand.u32 $0x7F, v16;
	v19 =	vand.u32 $0x7F, v19  }
0x1bc: {  	v41 =	vand.u32 $0xFFFFF87F, v29;
	v43 =	vand.u32 $0xFFFFF87F, v30;
	v17 =	vand.u32 $0xFFFFFC00, v17  }
0x1bd: {  	v12 =	vand.u32 $0xFFFFFC00, v12;
	v20 =	vand.u32 $0xFFFFFC00, v20;
	v22 =	vand.u32 $0xFFFFFC00, v22  }
0x1be: {  	v23 =	vand.u32 $0xFFFFFC00, v23;
	v24 =	vand.u32 $0xFFFFFC00, v24;
	v25 =	vand.u32 $0xFFFFFC00, v25  }
0x1bf: {  	v26 =	vand.u32 $0x400, v26;
	v27 =	vand.u32 $0x380, v27;
	v17 =	vadd.s32 v9, v17  }
0x1c0: {  	v12 =	vadd.s32 v9, v12;
	v20 =	vadd.s32 v9, v20;
	v21 =	vor.u32 v26, v21  }
0x1c1: {  	v22 =	vadd.s32 v9, v22;
	v11 =	vor.u32 v11, v17;
	v27 =	vor.u32 v27, v21  }
0x1c2: {  	v32 =	vld [tilespmem:s29+$0x10];
	v21 =	vadd.s32 v9, v23;
	v23 =	vadd.s32 v9, v24;
	v24 =	vadd.s32 v9, v25  }
0x1c3: {  	v31 =	vld [tilespmem:s29+$0xFFFFFFC0];
	v12 =	vor.u32 v18, v12;
	v13 =	vor.u32 v13, v20;
	v14 =	vor.u32 v14, v22  }
0x1c4: {  	v26 =	vld [tilespmem:s29+$0xFFFFFFD0];
	v20 =	vshll.u32 v29, $0x3;
	v22 =	vshll.u32 v30, $0x3;
	v11 =	vor.u32 v10, v11  }
0x1c5: {  	v17 =	vld [tilespmem:s0+$0x20];
	v15 =	vor.u32 v15, v21;
	v16 =	vor.u32 v16, v23;
	v19 =	vor.u32 v19, v24  }
0x1c6: {  	v25 =	vld [tilespmem:s29+$0xFFFFFFF0];
	v12 =	vor.u32 v10, v12;
	v13 =	vor.u32 v10, v13;
	v14 =	vor.u32 v10, v14  }
0x1c7: {  	v33 =	vld [tilespmem:s29+$0x20];
	v23 =	vshll.u32 v32, $0x3;
	v37 =	vand.u32 $0x400, v20;
	v39 =	vand.u32 $0x400, v22  }
0x1c8: {  	v20 =	vshrl.u32 v31, $0x1;
	v22 =	vshrl.u32 v29, $0x1;
	v24 =	vshrl.u32 v30, $0x1  }
0x1c9: {  	v30 =	vand.u32 $0xFFFFF87F, v32;
	v15 =	vor.u32 v10, v15;
	v16 =	vor.u32 v10, v16  }
0x1ca: {  	v18 =	vshll.u32 v26, $0x3;
	v40 =	vand.u32 $0xFFFFF87F, v26;
	v28 =	vshll.u32 v17, $0x3  }
0x1cb: {  	v17 =	vand.u32 $0x7F, v17;
	v21 =	vshll.u32 v25, $0x3;
	v28 =	vand.u32 $0xFFFFFC00, v28  }
0x1cc: {  	v35 =	vand.u32 $0x400, v18;
	v18 =	vshll.u32 v33, $0x3;
	v36 =	vld.idx.msk [tilespmem:v11+s14+$0x0], $0xffff;
	v28 =	vadd.s32 v9, v28  }
0x1cd: {  	v42 =	vand.u32 $0xFFFFF87F, v25;
	v11 =	vld.idx.msk [tilespmem:v12+s14+$0x0], $0xffff;
	v17 =	vor.u32 v17, v28;
	v28 =	vor.u32 v10, v19  }
0x1ce: {  	p2 =	sgt.s32 s22, $0x80;
	v38 =	vand.u32 $0x400, v21;
	v18 =	vand.u32 $0x400, v18;
	v12 =	vld.idx.msk [tilespmem:v13+s14+$0x0], $0xffff;
	v17 =	vor.u32 v10, v17  }
.Ltmp22:
0x1cf: {  	v21 =	vshrl.u32 v26, $0x1;
	v13 =	vld.idx.msk [tilespmem:v14+s14+$0x0], $0xffff;
	v26 =	vshrl.u32 v33, $0x1;
	v19 =	vshll.u32 v31, $0x3;
	(pc) =	sbr.rel @!p2 .LBB2_31-.Ltmp22, $4  }
0x1d0: {  	v33 =	vand.u32 $0xFFFFF87F, v33;
	v14 =	vld.idx.msk [tilespmem:v15+s14+$0x0], $0xffff;
	v31 =	vand.u32 $0xFFFFF87F, v31;
	v34 =	vand.u32 $0x400, v19  }
0x1d1: {  	v15 =	vld.idx.msk [tilespmem:v16+s14+$0x0], $0xffff;
	v19 =	vand.u32 $0x400, v23;
	v23 =	vshrl.u32 v25, $0x1;
	v25 =	vshrl.u32 v32, $0x1  }
0x1d2: {  	v32 =	vor.u32 v37, v41;
	v29 =	vor.u32 v34, v31;
	v31 =	vor.u32 v38, v42;
	v16 =	vld.idx.msk [tilespmem:v28+s14+$0x0], $0xffff  }
0x1d3: {  	s30 =	simm.s32 $0x80;
	s31 =	simm.s32 $0x141C0;
	[tilespmem:v27+s17+$0x0] =	vst.idx.msk $0xffff, v36;
	v27 =	vor.u32 v35, v40;
	v28 =	vor.u32 v39, v43;
	v17 =	vld.idx.msk [tilespmem:v17+s14+$0x0], $0xffff  }
.LBB2_30:
0x1d4: {  	v34 =	vld [tilespmem:s31+$0x30];
	s30 =	sadd.s32 $0x80, s30;
	v20 =	vand.u32 $0x380, v20;
	v19 =	vor.u32 v19, v30;
	v18 =	vor.u32 v18, v33  }
0x1d5: {  	v21 =	vand.u32 $0x380, v21;
	v22 =	vand.u32 $0x380, v22;
	v23 =	vand.u32 $0x380, v23;
	v30 =	vld [tilespmem:s31+$0xFFFFFFC0];
	p2 =	slt.s32 s30, s22  }
0x1d6: {  	v24 =	vand.u32 $0x380, v24;
	v25 =	vand.u32 $0x380, v25;
	v26 =	vand.u32 $0x380, v26;
	v33 =	vld [tilespmem:s31+$0xFFFFFFD0]  }
0x1d7: {  	v20 =	vor.u32 v20, v29;
	v21 =	vor.u32 v21, v27;
	v22 =	vor.u32 v22, v32;
	v35 =	vld [tilespmem:s31+$0xFFFFFFE0]  }
0x1d8: {  	v23 =	vor.u32 v23, v31;
	v24 =	vor.u32 v24, v28;
	v19 =	vor.u32 v25, v19;
	v27 =	vld [tilespmem:s31+$0xFFFFFFF0]  }
0x1d9: {  	v18 =	vor.u32 v26, v18;
	v25 =	vld [tilespmem:s31+$0x0];
	v28 =	vshll.u32 v34, $0x3  }
0x1da: {  	s29 =	sadd.s32 $0x80, s29;
	v26 =	vand.u32 $0x7F, v30;
	v29 =	vshll.u32 v30, $0x3;
	v30 =	vld [tilespmem:s31+$0x10];
	v28 =	vand.u32 $0xFFFFFC00, v28  }
0x1db: {  	v34 =	vand.u32 $0x7F, v34;
	v31 =	vshll.u32 v33, $0x3;
	v32 =	vld [tilespmem:s29+$0x30];
	v28 =	vadd.s32 v9, v28  }
0x1dc: {  	v29 =	vand.u32 $0xFFFFFC00, v29;
	v36 =	vshll.u32 v35, $0x3;
	v37 =	vld [tilespmem:s31+$0x20];
	v28 =	vor.u32 v34, v28;
	[tilespmem:v20+s17+$0x0] =	vst.idx.msk $0xffff, v11  }
0x1dd: {  	v11 =	vand.u32 $0xFFFFFC00, v31;
	v34 =	vld [tilespmem:s29+$0xFFFFFFD0];
	v20 =	vshll.u32 v27, $0x3;
	v28 =	vor.u32 v10, v28;
	[tilespmem:v21+s17+$0x0] =	vst.idx.msk $0xffff, v12  }
0x1de: {  	v12 =	vand.u32 $0xFFFFFC00, v36;
	v31 =	vld [tilespmem:s29+$0xFFFFFFE0];
	v20 =	vand.u32 $0xFFFFFC00, v20;
	v21 =	vshll.u32 v25, $0x3;
	[tilespmem:v22+s17+$0x0] =	vst.idx.msk $0xffff, v13  }
0x1df: {  	v13 =	vadd.s32 v9, v29;
	v29 =	vld [tilespmem:s29+$0xFFFFFFF0];
	v21 =	vand.u32 $0xFFFFFC00, v21;
	v22 =	vshll.u32 v30, $0x3;
	[tilespmem:v23+s17+$0x0] =	vst.idx.msk $0xffff, v14  }
0x1e0: {  	v11 =	vadd.s32 v9, v11;
	v36 =	vld [tilespmem:s29+$0x0];
	v14 =	vand.u32 $0xFFFFFC00, v22;
	v22 =	vshll.u32 v32, $0x3;
	[tilespmem:v24+s17+$0x0] =	vst.idx.msk $0xffff, v15  }
0x1e1: {  	v23 =	vand.u32 $0xFFFFF87F, v32;
	v38 =	vld [tilespmem:s29+$0x10];
	v15 =	vand.u32 $0x400, v22;
	v22 =	vshrl.u32 v32, $0x1;
	[tilespmem:v19+s17+$0x0] =	vst.idx.msk $0xffff, v16  }
0x1e2: {  	v16 =	vshll.u32 v37, $0x3;
	v19 =	vld.idx.msk [tilespmem:v28+s14+$0x0], $0xffff;
	v22 =	vand.u32 $0x380, v22;
	v15 =	vor.u32 v15, v23;
	[tilespmem:v18+s17+$0x0] =	vst.idx.msk $0xffff, v17  }
0x1e3: {  	v12 =	vadd.s32 v9, v12;
	v16 =	vand.u32 $0xFFFFFC00, v16;
	v28 =	vld [tilespmem:s29+$0x20];
	v15 =	vor.u32 v22, v15  }
0x1e4: {  	v14 =	vadd.s32 v9, v14;
	v18 =	vadd.s32 v9, v20;
	v20 =	vadd.s32 v9, v21;
	v17 =	vld [tilespmem:s29+$0xFFFFFFC0]  }
0x1e5: {  	v21 =	vand.u32 $0x7F, v33;
	v22 =	vand.u32 $0x7F, v35;
	v16 =	vadd.s32 v9, v16  }
0x1e6: {  	v24 =	vand.u32 $0x7F, v25;
	v25 =	vand.u32 $0x7F, v30;
	v23 =	vand.u32 $0x7F, v27  }
0x1e7: {  	v13 =	vor.u32 v26, v13;
	v11 =	vor.u32 v21, v11;
	v21 =	vand.u32 $0x7F, v37  }
0x1e8: {  	v26 =	vshll.u32 v34, $0x3;
	v18 =	vor.u32 v23, v18;
	v12 =	vor.u32 v22, v12;
	[tilespmem:v15+s17+$0x0] =	vst.idx.msk $0xffff, v19  }
0x1e9: {  	v14 =	vor.u32 v25, v14;
	v16 =	vor.u32 v21, v16;
	v15 =	vor.u32 v24, v20  }
0x1ea: {  	v13 =	vor.u32 v10, v13;
	v22 =	vor.u32 v10, v12;
	v19 =	vor.u32 v10, v11  }
0x1eb: {  	v25 =	vor.u32 v10, v14;
	v23 =	vor.u32 v10, v18;
	v15 =	vor.u32 v10, v15  }
0x1ec: {  	v12 =	vshll.u32 v31, $0x3;
	v32 =	vor.u32 v10, v16;
	v11 =	vshll.u32 v17, $0x3  }
0x1ed: {  	v14 =	vshll.u32 v29, $0x3;
	v16 =	vshll.u32 v36, $0x3;
	v18 =	vshll.u32 v38, $0x3  }
0x1ee: {  	v33 =	vand.u32 $0x400, v26;
	v21 =	vshll.u32 v28, $0x3;
	v27 =	vand.u32 $0x400, v11  }
0x1ef: {  	v37 =	vand.u32 $0x400, v14;
	v35 =	vand.u32 $0x400, v12;
	v39 =	vand.u32 $0x400, v16;
	v11 =	vld.idx.msk [tilespmem:v13+s14+$0x0], $0xffff  }
0x1f0: {  	v20 =	vshrl.u32 v17, $0x1;
	v12 =	vld.idx.msk [tilespmem:v19+s14+$0x0], $0xffff;
	v19 =	vand.u32 $0x400, v18;
	v18 =	vand.u32 $0x400, v21  }
0x1f1: {  	v17 =	vand.u32 $0xFFFFF87F, v17;
	v21 =	vshrl.u32 v34, $0x1;
	v34 =	vand.u32 $0xFFFFF87F, v34;
	v13 =	vld.idx.msk [tilespmem:v22+s14+$0x0], $0xffff  }
.Ltmp23:
0x1f2: {  	v22 =	vshrl.u32 v31, $0x1;
	v31 =	vand.u32 $0xFFFFF87F, v31;
	v14 =	vld.idx.msk [tilespmem:v23+s14+$0x0], $0xffff;
	v23 =	vshrl.u32 v29, $0x1;
	(pc) =	sbr.rel @p2 .LBB2_30-.Ltmp23, $4  }
0x1f3: {  	v40 =	vand.u32 $0xFFFFF87F, v29;
	v24 =	vshrl.u32 v36, $0x1;
	v36 =	vand.u32 $0xFFFFF87F, v36;
	v15 =	vld.idx.msk [tilespmem:v15+s14+$0x0], $0xffff  }
0x1f4: {  	v30 =	vand.u32 $0xFFFFF87F, v38;
	v26 =	vshrl.u32 v28, $0x1;
	v16 =	vld.idx.msk [tilespmem:v25+s14+$0x0], $0xffff;
	v25 =	vshrl.u32 v38, $0x1  }
0x1f5: {  	v29 =	vor.u32 v27, v17;
	v27 =	vor.u32 v33, v34;
	v33 =	vand.u32 $0xFFFFF87F, v28;
	v17 =	vld.idx.msk [tilespmem:v32+s14+$0x0], $0xffff  }
0x1f6: {  	s31 =	sadd.s32 $0x80, s31;
	v28 =	vor.u32 v39, v36;
	v32 =	vor.u32 v35, v31;
	v31 =	vor.u32 v37, v40  }
.LBB2_31:
0x1f7: {  	v9 =	vand.u32 $0x380, v20  }
0x1f8: {  	v10 =	vand.u32 $0x380, v21;
	v9 =	vor.u32 v9, v29  }
0x1f9: {  	v59 =	vand.u32 $0x380, v22;
	v10 =	vor.u32 v10, v27  }
0x1fa: {  	v60 =	vand.u32 $0x380, v23;
	v20 =	vor.u32 v59, v32  }
0x1fb: {  	v61 =	vand.u32 $0x380, v24;
	v21 =	vor.u32 v60, v31  }
0x1fc: {  	v19 =	vor.u32 v19, v30;
	v62 =	vand.u32 $0x380, v25;
	v22 =	vor.u32 v61, v28  }
0x1fd: {  	v18 =	vor.u32 v18, v33;
	v63 =	vand.u32 $0x380, v26;
	v19 =	vor.u32 v62, v19;
	[tilespmem:v9+s17+$0x0] =	vst.idx.msk $0xffff, v11  }
0x1fe: {  	v9 =	vor.u32 v63, v18;
	[tilespmem:v10+s17+$0x0] =	vst.idx.msk $0xffff, v12  }
0x1ff: {  	[tilespmem:v20+s17+$0x0] =	vst.idx.msk $0xffff, v13  }
0x200: {  	[tilespmem:v21+s17+$0x0] =	vst.idx.msk $0xffff, v14  }
0x201: {  	[tilespmem:v22+s17+$0x0] =	vst.idx.msk $0xffff, v15  }
0x202: {  	[tilespmem:v19+s17+$0x0] =	vst.idx.msk $0xffff, v16  }
0x203: {  	[tilespmem:v9+s17+$0x0] =	vst.idx.msk $0xffff, v17  }
.LBB2_32:
.Ltmp24:
0x204: {  	(pc) =	sbr.rel @p1 .LBB2_35-.Ltmp24, $1  }
0x205: {  	_ =	sdelay $0x3  }
0x206: {  	v7 =	vand.u32 $0x7000, v7;
	v8 =	vand.u32 $0x300, v8  }
0x207: {  	s0 =	smov.u32 s25;
	s29 =	smov.u32 s24;
	s30 =	smov.u32 s22;
	v7 =	vor.u32 v8, v7  }
.LBB2_34:
0x208: {  	v8 =	vld [tilespmem:s29+$0x0];
	_ =	sdelay $0x4  }
0x209: {  	v9 =	vld [tilespmem:s0+$0x0];
	v10 =	vshll.u32 v8, $0x3  }
0x20a: {  	v10 =	vand.u32 $0xFFFFFC00, v10  }
0x20b: {  	v8 =	vand.u32 $0x7F, v8;
	v10 =	vadd.s32 v7, v10  }
0x20c: {  	v8 =	vor.u32 v8, v10;
	_ =	sdelay $0x1  }
0x20d: {  	v63 =	vshll.u32 v9, $0x3  }
0x20e: {  	v11 =	vshrl.u32 v9, $0x1;
	v9 =	vand.u32 $0xFFFFF87F, v9;
	v10 =	vand.u32 $0x400, v63  }
0x20f: {  	s30 =	sadd.s32 $0x10, s30;
	v11 =	vand.u32 $0x380, v11;
	v9 =	vor.u32 v10, v9  }
0x210: {  	p2 =	slt.s32 s30, s23;
	v9 =	vor.u32 v11, v9;
	v8 =	vld.idx.msk [tilespmem:v8+s14+$0x0], $0xffff  }
.Ltmp25:
0x211: {  	_ = 	snop;
	(pc) =	sbr.rel @p2 .LBB2_34-.Ltmp25, $2  }
0x212: {  	_ =	sdelay $0x2  }
0x213: {  	s29 =	sadd.s32 $0x10, s29;
	s0 =	sadd.s32 $0x10, s0;
	[tilespmem:v9+s17+$0x0] =	vst.idx.msk $0xffff, v8  }
.LBB2_35:
0x214: {  	s0 =	sshll.u32 s26, $0x11  }
0x215: {  	s0 =	sadd.s32 s5, s0  }
0x216: {  	s0 =	sshrl.u32 s0, $0x3  }
.Ltmp26:
0x217: {  	s0 =	sadd.s32 s3, s0;
	(pc) =	sbr.rel @p0 .LBB2_39-.Ltmp26, $4  }
0x218: {  	[hbm4b:s0+s4] =	stream.linear.scatter [tilespmem:s17], [sflag:$0x2], $0x4000, $0x38;
	[tilespmem:$0x1F180] =	vst v63  }
0x219: {  	s28 =	sor.u32 $0x1, s28;
	_ =	swait.ge [sflag:s20], $0x4000  }
0x21a: {  	v8 =	vmov s28;
	[sflag:s20] =	ssyncset.done $0x0  }
0x21b: {  	v7 =	vshll.u32 v8, $0x9;
	v8 =	vshll.u32 v8, $0x7;
	[sflag:s20] =	ssyncadd.s32 $0xFFFFC000  }
0x21c: {  	s0 =	simm.s32 $0x14140  }
0x21d: {  	v11 =	vld [tilespmem:s0+$0x30]  }
0x21e: {  	v12 =	vld [tilespmem:s0+$0xFFFFFFC0]  }
0x21f: {  	v13 =	vld [tilespmem:s0+$0xFFFFFFD0]  }
0x220: {  	v14 =	vld [tilespmem:s0+$0xFFFFFFE0]  }
0x221: {  	v15 =	vld [tilespmem:s0+$0xFFFFFFF0]  }
0x222: {  	v16 =	vld [tilespmem:s0+$0x0]  }
0x223: {  	s29 =	simm.s32 $0x120C0;
	v19 =	vld [tilespmem:s0+$0x10]  }
0x224: {  	v21 =	vld [tilespmem:s29+$0x30]  }
0x225: {  	v9 =	vand.u32 $0x7000, v7  }
0x226: {  	v10 =	vand.u32 $0x380, v8;
	v29 =	vld [tilespmem:s29+$0xFFFFFFE0];
	v17 =	vshll.u32 v11, $0x3;
	v18 =	vand.u32 $0x7F, v12  }
0x227: {  	v30 =	vld [tilespmem:s29+$0x0];
	v12 =	vshll.u32 v12, $0x3;
	v20 =	vshll.u32 v13, $0x3;
	v11 =	vand.u32 $0x7F, v11  }
0x228: {  	v22 =	vshll.u32 v14, $0x3;
	v23 =	vshll.u32 v15, $0x3;
	v24 =	vshll.u32 v16, $0x3  }
0x229: {  	v25 =	vshll.u32 v19, $0x3;
	v26 =	vshll.u32 v21, $0x3;
	v27 =	vshrl.u32 v21, $0x1  }
0x22a: {  	v21 =	vand.u32 $0xFFFFF87F, v21;
	v13 =	vand.u32 $0x7F, v13;
	v14 =	vand.u32 $0x7F, v14  }
0x22b: {  	v15 =	vand.u32 $0x7F, v15;
	v16 =	vand.u32 $0x7F, v16;
	v19 =	vand.u32 $0x7F, v19  }
0x22c: {  	v41 =	vand.u32 $0xFFFFF87F, v29;
	v43 =	vand.u32 $0xFFFFF87F, v30;
	v17 =	vand.u32 $0xFFFFFC00, v17  }
0x22d: {  	v12 =	vand.u32 $0xFFFFFC00, v12;
	v20 =	vand.u32 $0xFFFFFC00, v20;
	v22 =	vand.u32 $0xFFFFFC00, v22  }
0x22e: {  	v23 =	vand.u32 $0xFFFFFC00, v23;
	v24 =	vand.u32 $0xFFFFFC00, v24;
	v25 =	vand.u32 $0xFFFFFC00, v25  }
0x22f: {  	v26 =	vand.u32 $0x400, v26;
	v27 =	vand.u32 $0x380, v27;
	v17 =	vadd.s32 v9, v17  }
0x230: {  	v12 =	vadd.s32 v9, v12;
	v20 =	vadd.s32 v9, v20;
	v21 =	vor.u32 v26, v21  }
0x231: {  	v22 =	vadd.s32 v9, v22;
	v11 =	vor.u32 v11, v17;
	v27 =	vor.u32 v27, v21  }
0x232: {  	v32 =	vld [tilespmem:s29+$0x10];
	v21 =	vadd.s32 v9, v23;
	v23 =	vadd.s32 v9, v24;
	v24 =	vadd.s32 v9, v25  }
0x233: {  	v31 =	vld [tilespmem:s29+$0xFFFFFFC0];
	v12 =	vor.u32 v18, v12;
	v13 =	vor.u32 v13, v20;
	v14 =	vor.u32 v14, v22  }
0x234: {  	v26 =	vld [tilespmem:s29+$0xFFFFFFD0];
	v20 =	vshll.u32 v29, $0x3;
	v22 =	vshll.u32 v30, $0x3;
	v11 =	vor.u32 v10, v11  }
0x235: {  	v17 =	vld [tilespmem:s0+$0x20];
	v15 =	vor.u32 v15, v21;
	v16 =	vor.u32 v16, v23;
	v19 =	vor.u32 v19, v24  }
0x236: {  	v25 =	vld [tilespmem:s29+$0xFFFFFFF0];
	v12 =	vor.u32 v10, v12;
	v13 =	vor.u32 v10, v13;
	v14 =	vor.u32 v10, v14  }
0x237: {  	v33 =	vld [tilespmem:s29+$0x20];
	v23 =	vshll.u32 v32, $0x3;
	v37 =	vand.u32 $0x400, v20;
	v39 =	vand.u32 $0x400, v22  }
0x238: {  	v20 =	vshrl.u32 v31, $0x1;
	v22 =	vshrl.u32 v29, $0x1;
	v24 =	vshrl.u32 v30, $0x1  }
0x239: {  	v30 =	vand.u32 $0xFFFFF87F, v32;
	v15 =	vor.u32 v10, v15;
	v16 =	vor.u32 v10, v16  }
0x23a: {  	v18 =	vshll.u32 v26, $0x3;
	v40 =	vand.u32 $0xFFFFF87F, v26;
	v28 =	vshll.u32 v17, $0x3  }
0x23b: {  	v17 =	vand.u32 $0x7F, v17;
	v21 =	vshll.u32 v25, $0x3;
	v28 =	vand.u32 $0xFFFFFC00, v28  }
0x23c: {  	v35 =	vand.u32 $0x400, v18;
	v18 =	vshll.u32 v33, $0x3;
	v36 =	vld.idx.msk [tilespmem:v11+s14+$0x0], $0xffff;
	v28 =	vadd.s32 v9, v28  }
0x23d: {  	v42 =	vand.u32 $0xFFFFF87F, v25;
	v11 =	vld.idx.msk [tilespmem:v12+s14+$0x0], $0xffff;
	v17 =	vor.u32 v17, v28;
	v28 =	vor.u32 v10, v19  }
0x23e: {  	p2 =	sgt.s32 s22, $0x80;
	v38 =	vand.u32 $0x400, v21;
	v18 =	vand.u32 $0x400, v18;
	v12 =	vld.idx.msk [tilespmem:v13+s14+$0x0], $0xffff;
	v17 =	vor.u32 v10, v17  }
.Ltmp27:
0x23f: {  	v21 =	vshrl.u32 v26, $0x1;
	v13 =	vld.idx.msk [tilespmem:v14+s14+$0x0], $0xffff;
	v26 =	vshrl.u32 v33, $0x1;
	v19 =	vshll.u32 v31, $0x3;
	(pc) =	sbr.rel @!p2 .LBB2_38-.Ltmp27, $4  }
0x240: {  	v33 =	vand.u32 $0xFFFFF87F, v33;
	v14 =	vld.idx.msk [tilespmem:v15+s14+$0x0], $0xffff;
	v31 =	vand.u32 $0xFFFFF87F, v31;
	v34 =	vand.u32 $0x400, v19  }
0x241: {  	v15 =	vld.idx.msk [tilespmem:v16+s14+$0x0], $0xffff;
	v19 =	vand.u32 $0x400, v23;
	v23 =	vshrl.u32 v25, $0x1;
	v25 =	vshrl.u32 v32, $0x1  }
0x242: {  	v32 =	vor.u32 v37, v41;
	v29 =	vor.u32 v34, v31;
	v31 =	vor.u32 v38, v42;
	v16 =	vld.idx.msk [tilespmem:v28+s14+$0x0], $0xffff  }
0x243: {  	s30 =	simm.s32 $0x80;
	s31 =	simm.s32 $0x141C0;
	[tilespmem:v27+s18+$0x0] =	vst.idx.msk $0xffff, v36;
	v27 =	vor.u32 v35, v40;
	v28 =	vor.u32 v39, v43;
	v17 =	vld.idx.msk [tilespmem:v17+s14+$0x0], $0xffff  }
.LBB2_37:
0x244: {  	v34 =	vld [tilespmem:s31+$0x30];
	s30 =	sadd.s32 $0x80, s30;
	v20 =	vand.u32 $0x380, v20;
	v19 =	vor.u32 v19, v30;
	v18 =	vor.u32 v18, v33  }
0x245: {  	v21 =	vand.u32 $0x380, v21;
	v22 =	vand.u32 $0x380, v22;
	v23 =	vand.u32 $0x380, v23;
	v30 =	vld [tilespmem:s31+$0xFFFFFFC0];
	p2 =	slt.s32 s30, s22  }
0x246: {  	v24 =	vand.u32 $0x380, v24;
	v25 =	vand.u32 $0x380, v25;
	v26 =	vand.u32 $0x380, v26;
	v33 =	vld [tilespmem:s31+$0xFFFFFFD0]  }
0x247: {  	v20 =	vor.u32 v20, v29;
	v21 =	vor.u32 v21, v27;
	v22 =	vor.u32 v22, v32;
	v35 =	vld [tilespmem:s31+$0xFFFFFFE0]  }
0x248: {  	v23 =	vor.u32 v23, v31;
	v24 =	vor.u32 v24, v28;
	v19 =	vor.u32 v25, v19;
	v27 =	vld [tilespmem:s31+$0xFFFFFFF0]  }
0x249: {  	v18 =	vor.u32 v26, v18;
	v25 =	vld [tilespmem:s31+$0x0];
	v28 =	vshll.u32 v34, $0x3  }
0x24a: {  	s29 =	sadd.s32 $0x80, s29;
	v26 =	vand.u32 $0x7F, v30;
	v29 =	vshll.u32 v30, $0x3;
	v30 =	vld [tilespmem:s31+$0x10];
	v28 =	vand.u32 $0xFFFFFC00, v28  }
0x24b: {  	v34 =	vand.u32 $0x7F, v34;
	v31 =	vshll.u32 v33, $0x3;
	v32 =	vld [tilespmem:s29+$0x30];
	v28 =	vadd.s32 v9, v28  }
0x24c: {  	v29 =	vand.u32 $0xFFFFFC00, v29;
	v36 =	vshll.u32 v35, $0x3;
	v37 =	vld [tilespmem:s31+$0x20];
	v28 =	vor.u32 v34, v28;
	[tilespmem:v20+s18+$0x0] =	vst.idx.msk $0xffff, v11  }
0x24d: {  	v11 =	vand.u32 $0xFFFFFC00, v31;
	v34 =	vld [tilespmem:s29+$0xFFFFFFD0];
	v20 =	vshll.u32 v27, $0x3;
	v28 =	vor.u32 v10, v28;
	[tilespmem:v21+s18+$0x0] =	vst.idx.msk $0xffff, v12  }
0x24e: {  	v12 =	vand.u32 $0xFFFFFC00, v36;
	v31 =	vld [tilespmem:s29+$0xFFFFFFE0];
	v20 =	vand.u32 $0xFFFFFC00, v20;
	v21 =	vshll.u32 v25, $0x3;
	[tilespmem:v22+s18+$0x0] =	vst.idx.msk $0xffff, v13  }
0x24f: {  	v13 =	vadd.s32 v9, v29;
	v29 =	vld [tilespmem:s29+$0xFFFFFFF0];
	v21 =	vand.u32 $0xFFFFFC00, v21;
	v22 =	vshll.u32 v30, $0x3;
	[tilespmem:v23+s18+$0x0] =	vst.idx.msk $0xffff, v14  }
0x250: {  	v11 =	vadd.s32 v9, v11;
	v36 =	vld [tilespmem:s29+$0x0];
	v14 =	vand.u32 $0xFFFFFC00, v22;
	v22 =	vshll.u32 v32, $0x3;
	[tilespmem:v24+s18+$0x0] =	vst.idx.msk $0xffff, v15  }
0x251: {  	v23 =	vand.u32 $0xFFFFF87F, v32;
	v38 =	vld [tilespmem:s29+$0x10];
	v15 =	vand.u32 $0x400, v22;
	v22 =	vshrl.u32 v32, $0x1;
	[tilespmem:v19+s18+$0x0] =	vst.idx.msk $0xffff, v16  }
0x252: {  	v16 =	vshll.u32 v37, $0x3;
	v19 =	vld.idx.msk [tilespmem:v28+s14+$0x0], $0xffff;
	v22 =	vand.u32 $0x380, v22;
	v15 =	vor.u32 v15, v23;
	[tilespmem:v18+s18+$0x0] =	vst.idx.msk $0xffff, v17  }
0x253: {  	v12 =	vadd.s32 v9, v12;
	v16 =	vand.u32 $0xFFFFFC00, v16;
	v28 =	vld [tilespmem:s29+$0x20];
	v15 =	vor.u32 v22, v15  }
0x254: {  	v14 =	vadd.s32 v9, v14;
	v18 =	vadd.s32 v9, v20;
	v20 =	vadd.s32 v9, v21;
	v17 =	vld [tilespmem:s29+$0xFFFFFFC0]  }
0x255: {  	v21 =	vand.u32 $0x7F, v33;
	v22 =	vand.u32 $0x7F, v35;
	v16 =	vadd.s32 v9, v16  }
0x256: {  	v24 =	vand.u32 $0x7F, v25;
	v25 =	vand.u32 $0x7F, v30;
	v23 =	vand.u32 $0x7F, v27  }
0x257: {  	v13 =	vor.u32 v26, v13;
	v11 =	vor.u32 v21, v11;
	v21 =	vand.u32 $0x7F, v37  }
0x258: {  	v26 =	vshll.u32 v34, $0x3;
	v18 =	vor.u32 v23, v18;
	v12 =	vor.u32 v22, v12;
	[tilespmem:v15+s18+$0x0] =	vst.idx.msk $0xffff, v19  }
0x259: {  	v14 =	vor.u32 v25, v14;
	v16 =	vor.u32 v21, v16;
	v15 =	vor.u32 v24, v20  }
0x25a: {  	v13 =	vor.u32 v10, v13;
	v22 =	vor.u32 v10, v12;
	v19 =	vor.u32 v10, v11  }
0x25b: {  	v25 =	vor.u32 v10, v14;
	v23 =	vor.u32 v10, v18;
	v15 =	vor.u32 v10, v15  }
0x25c: {  	v12 =	vshll.u32 v31, $0x3;
	v32 =	vor.u32 v10, v16;
	v11 =	vshll.u32 v17, $0x3  }
0x25d: {  	v14 =	vshll.u32 v29, $0x3;
	v16 =	vshll.u32 v36, $0x3;
	v18 =	vshll.u32 v38, $0x3  }
0x25e: {  	v33 =	vand.u32 $0x400, v26;
	v21 =	vshll.u32 v28, $0x3;
	v27 =	vand.u32 $0x400, v11  }
0x25f: {  	v37 =	vand.u32 $0x400, v14;
	v35 =	vand.u32 $0x400, v12;
	v39 =	vand.u32 $0x400, v16;
	v11 =	vld.idx.msk [tilespmem:v13+s14+$0x0], $0xffff  }
0x260: {  	v20 =	vshrl.u32 v17, $0x1;
	v12 =	vld.idx.msk [tilespmem:v19+s14+$0x0], $0xffff;
	v19 =	vand.u32 $0x400, v18;
	v18 =	vand.u32 $0x400, v21  }
0x261: {  	v17 =	vand.u32 $0xFFFFF87F, v17;
	v21 =	vshrl.u32 v34, $0x1;
	v34 =	vand.u32 $0xFFFFF87F, v34;
	v13 =	vld.idx.msk [tilespmem:v22+s14+$0x0], $0xffff  }
.Ltmp28:
0x262: {  	v22 =	vshrl.u32 v31, $0x1;
	v31 =	vand.u32 $0xFFFFF87F, v31;
	v14 =	vld.idx.msk [tilespmem:v23+s14+$0x0], $0xffff;
	v23 =	vshrl.u32 v29, $0x1;
	(pc) =	sbr.rel @p2 .LBB2_37-.Ltmp28, $4  }
0x263: {  	v40 =	vand.u32 $0xFFFFF87F, v29;
	v24 =	vshrl.u32 v36, $0x1;
	v36 =	vand.u32 $0xFFFFF87F, v36;
	v15 =	vld.idx.msk [tilespmem:v15+s14+$0x0], $0xffff  }
0x264: {  	v30 =	vand.u32 $0xFFFFF87F, v38;
	v26 =	vshrl.u32 v28, $0x1;
	v16 =	vld.idx.msk [tilespmem:v25+s14+$0x0], $0xffff;
	v25 =	vshrl.u32 v38, $0x1  }
0x265: {  	v29 =	vor.u32 v27, v17;
	v27 =	vor.u32 v33, v34;
	v33 =	vand.u32 $0xFFFFF87F, v28;
	v17 =	vld.idx.msk [tilespmem:v32+s14+$0x0], $0xffff  }
0x266: {  	s31 =	sadd.s32 $0x80, s31;
	v28 =	vor.u32 v39, v36;
	v32 =	vor.u32 v35, v31;
	v31 =	vor.u32 v37, v40  }
.LBB2_38:
0x267: {  	v9 =	vand.u32 $0x380, v20  }
0x268: {  	v10 =	vand.u32 $0x380, v21;
	v9 =	vor.u32 v9, v29  }
0x269: {  	v59 =	vand.u32 $0x380, v22;
	v10 =	vor.u32 v10, v27  }
0x26a: {  	v60 =	vand.u32 $0x380, v23;
	v20 =	vor.u32 v59, v32  }
0x26b: {  	v61 =	vand.u32 $0x380, v24;
	v21 =	vor.u32 v60, v31  }
0x26c: {  	v19 =	vor.u32 v19, v30;
	v62 =	vand.u32 $0x380, v25;
	v22 =	vor.u32 v61, v28  }
0x26d: {  	v18 =	vor.u32 v18, v33;
	v63 =	vand.u32 $0x380, v26;
	v19 =	vor.u32 v62, v19;
	[tilespmem:v9+s18+$0x0] =	vst.idx.msk $0xffff, v11  }
0x26e: {  	v9 =	vor.u32 v63, v18;
	[tilespmem:v10+s18+$0x0] =	vst.idx.msk $0xffff, v12  }
0x26f: {  	[tilespmem:v20+s18+$0x0] =	vst.idx.msk $0xffff, v13  }
0x270: {  	[tilespmem:v21+s18+$0x0] =	vst.idx.msk $0xffff, v14  }
0x271: {  	[tilespmem:v22+s18+$0x0] =	vst.idx.msk $0xffff, v15  }
0x272: {  	[tilespmem:v19+s18+$0x0] =	vst.idx.msk $0xffff, v16  }
0x273: {  	[tilespmem:v9+s18+$0x0] =	vst.idx.msk $0xffff, v17  }
.LBB2_39:
.Ltmp29:
0x274: {  	(pc) =	sbr.rel @p1 .LBB2_42-.Ltmp29, $1  }
0x275: {  	_ =	sdelay $0x3  }
0x276: {  	v7 =	vand.u32 $0x7000, v7;
	v8 =	vand.u32 $0x380, v8  }
0x277: {  	s0 =	smov.u32 s25;
	s29 =	smov.u32 s24;
	s30 =	smov.u32 s22;
	v7 =	vor.u32 v8, v7  }
.LBB2_41:
0x278: {  	v8 =	vld [tilespmem:s29+$0x0];
	_ =	sdelay $0x4  }
0x279: {  	v9 =	vld [tilespmem:s0+$0x0];
	v10 =	vshll.u32 v8, $0x3  }
0x27a: {  	v10 =	vand.u32 $0xFFFFFC00, v10  }
0x27b: {  	v8 =	vand.u32 $0x7F, v8;
	v10 =	vadd.s32 v7, v10  }
0x27c: {  	v8 =	vor.u32 v8, v10;
	_ =	sdelay $0x1  }
0x27d: {  	v63 =	vshll.u32 v9, $0x3  }
0x27e: {  	v11 =	vshrl.u32 v9, $0x1;
	v9 =	vand.u32 $0xFFFFF87F, v9;
	v10 =	vand.u32 $0x400, v63  }
0x27f: {  	s30 =	sadd.s32 $0x10, s30;
	v11 =	vand.u32 $0x380, v11;
	v9 =	vor.u32 v10, v9  }
0x280: {  	p2 =	slt.s32 s30, s23;
	v9 =	vor.u32 v11, v9;
	v8 =	vld.idx.msk [tilespmem:v8+s14+$0x0], $0xffff  }
.Ltmp30:
0x281: {  	_ = 	snop;
	(pc) =	sbr.rel @p2 .LBB2_41-.Ltmp30, $2  }
0x282: {  	_ =	sdelay $0x2  }
0x283: {  	s29 =	sadd.s32 $0x10, s29;
	s0 =	sadd.s32 $0x10, s0;
	[tilespmem:v9+s18+$0x0] =	vst.idx.msk $0xffff, v8  }
.Ltmp31:
0x284: {  	_ = 	snop;
	(pc) =	sbr.rel .LBB2_42-.Ltmp31, $1  }
0x285: {  	_ =	sdelay $0x3  }
.LBB2_44:
0x286: {  	_ =	sfence.sel $0x180000  }
0x287: {  	[bflag:$0x0] =	sbarrier.arrive $0xFFFF  }
0x288: {  	_ =	strace $0x90000047  }
0x289: {  	[bflag:$0x2] =	sbarrier.arrive $0xFFFF  }
0x28a: {  	p0 =	sne.s32 s1, $0x0;
	s0 =	rddreg [dreg:$0x5]  }
0x28b: {  	s0 =	sadd.s32 @!p0 $0x100000, s0  }
0x28c: {  	[sflag:s0] =	ssyncadd.tile.s32 @!p0 $0x1;
	_ =	shalt  }
.Lfunc_end2:
_tile_overlayer_lowered:
.L_overlay_start_2:
0x28d: {  	(tag) =	ssettag $0x2  }
0x28e: {  	s0 =	rddreg [dreg:$0x0];
	s2 =	stileid.u32  }
0x28f: {  	s1 =	rddreg [dreg:$0x1];
	p0 =	sne.s32 s2, $0x0  }
0x290: {  	s3 =	rddreg [dreg:$0x2];
	[bflag:$0x3] =	sbarrier.arrive $0xFFFF;
	s2 =	simm.s32 @!p0 $0x1C04  }
0x291: {  	[timem:s3], [sflag:s2] =	dma.local @!p0 [hbm:s0], s1  }
0x292: {  	s0 =	simm.s32 @!p0 $0x4  }
0x293: {  	_ =	swait.ge @!p0 [sflag:s0], s1  }
0x294: {  	s1 =	ssub.s32 @!p0 $0x0, s1;
	[sflag:s0] =	ssyncset.done @!p0 $0x0  }
0x295: {  	[sflag:s0] =	ssyncadd.s32 @!p0 s1  }
0x296: {  	[bflag:$0x3] =	sbarrier.arrive $0xFFFF  }
0x297: {  	_ =	shalt  }

</sc_bundles>
